<compile_context>
chip_gen: v7x
topology: tpu7x:2x2x1
jax: 0.10.2.dev20260603
libtpu: 0.0.44.dev20260713+nightly
codegen_flags: <defaults>
</compile_context>

<pallas_src>
import functools

import jax
import jax.numpy as jnp
from jax import lax
from jax.experimental import pallas as pl
from jax.experimental.pallas import tpu as pltpu
from jax.experimental.pallas import tpu_sc as plsc

DW = 128
DN = 32
DK = DW - DN

_BLK = 10000

_NC = 2
_NS = 16
_NW = _NC * _NS
_CH = 128


def _combine_body(w_ref, n_ref, o_ref):
    o_ref[:, :DK] = w_ref[:, :DK]
    o_ref[:, DK:] = n_ref[...]


def _build_combined(W_word, W_num):
    vocab = W_word.shape[0]
    return pl.pallas_call(
        _combine_body,
        grid=(vocab // _BLK,),
        in_specs=[
            pl.BlockSpec((_BLK, DW), lambda i: (i, 0)),
            pl.BlockSpec((_BLK, DN), lambda i: (i, 0)),
        ],
        out_specs=pl.BlockSpec((_BLK, DW), lambda i: (i, 0)),
        out_shape=jax.ShapeDtypeStruct((vocab, DW), jnp.float32),
    )(W_word, W_num)


_NB = 5


@functools.cache
def _make_gather(BL):
    per_w = BL // _NW
    n_rows = per_w // _CH
    n_blk = n_rows // _NB
    assert n_blk % 2 == 0
    mesh = plsc.VectorSubcoreMesh(core_axis_name="c", subcore_axis_name="s")

    def body(idx_hbm, tab_hbm, out_hbm, idx_v, rows_v, isem, gsem, wsem):
        wid = lax.axis_index("s") * _NC + lax.axis_index("c")
        row0 = wid * n_rows

        blk0 = wid * n_blk

        def idx_load(blk, slot):
            pltpu.async_copy(idx_hbm.at[blk0 + blk], idx_v.at[slot], isem)

        def idx_wait(slot):
            pltpu.make_async_copy(idx_hbm.at[0], idx_v.at[slot], isem).wait()

        def write_wait(b):
            pltpu.make_async_copy(
                rows_v.at[b], out_hbm.at[pl.ds(0, _CH)], wsem.at[b]).wait()

        idx_load(0, 0)

        def outer(t, carry):
            for half in range(2):
                g = 2 * t + half
                p, q = half, 1 - half
                idx_wait(p)
                idx_load(jnp.minimum(g + 1, n_blk - 1), q)
                if half:
                    for b in range(_NB):
                        write_wait(b)
                else:
                    @pl.when(t > 0)
                    def _():
                        for b in range(_NB):
                            write_wait(b)
                handles = [
                    pltpu.async_copy(tab_hbm.at[idx_v.at[p, b]], rows_v.at[b],
                                     gsem.at[b])
                    for b in range(_NB)
                ]
                for b in range(_NB):
                    handles[b].wait()
                    pltpu.async_copy(
                        rows_v.at[b],
                        out_hbm.at[pl.ds((row0 + g * _NB + b) * _CH, _CH)],
                        wsem.at[b])
            return carry

        lax.fori_loop(0, n_blk // 2, outer, 0)
        idx_wait(0)
        for b in range(_NB):
            write_wait(b)

    return pl.kernel(
        body,
        mesh=mesh,
        out_type=jax.ShapeDtypeStruct((BL, DW), jnp.float32),
        scratch_types=[
            pltpu.VMEM((2, _NB, _CH), jnp.int32),
            pltpu.VMEM((_NB, _CH, DW), jnp.float32),
            pltpu.SemaphoreType.DMA,
            pltpu.SemaphoreType.DMA((_NB,)),
            pltpu.SemaphoreType.DMA((_NB,)),
        ],
    )


def kernel(x, W_word, W_num):
    B, L = x.shape
    BL = B * L
    tab = _build_combined(W_word, W_num)
    idx = x.reshape(BL // (_NB * _CH), _NB, _CH).astype(jnp.int32)
    out = _make_gather(BL)(idx, tab)
    return out.reshape(B, L, DW)

# --- scband reference (transcript-rebuilt; emitter-appended) ---
"""Pipeline reference for scband-combined-numerical-embedding-3015067042085 (READ-ONLY COPY).

The authoritative reference and input builder live on the scoring server;
editing this copy changes nothing except your own understanding.
"""

import jax, jax.numpy as jnp
import numpy as np

VOCAB = 100000
D_WORD = 128
D_NUM = 32
B, L = 4096, 200


def setup_inputs(seed: int = 0) -> dict:
    key = jax.random.key(seed)
    k1, k2, k3 = jax.random.split(key, 3)
    x = jax.random.randint(k1, (B, L), 0, VOCAB, dtype=jnp.int64 if jax.config.jax_enable_x64 else jnp.int32)
    W_word = jax.random.normal(k2, (VOCAB, D_WORD), dtype=jnp.float32) * 0.02
    W_num = jax.random.normal(k3, (VOCAB, D_NUM), dtype=jnp.float32) * 0.02
    return {"x": x, "W_word": W_word, "W_num": W_num}


def reference(x, W_word, W_num):
    # emb_word = self.word_embed(x)
    emb_word = jnp.take(W_word, x, axis=0)          # [B, L, D_WORD]
    # emb_num = self.num_embed(x)
    emb_num = jnp.take(W_num, x, axis=0)            # [B, L, D_NUM]
    # mode == 'concat': overwrite the last D_NUM channels of emb_word with emb_num
    out = emb_word.at[:, :, -D_NUM:].set(emb_num)
    return out

if __name__ == "__main__":
    import jax
    _d = setup_inputs()
    print(jax.jit(kernel)(*tuple(_d.values())))

</pallas_src>

<mosaic_0001>
#map = affine_map<(d0, d1) -> (0, 0, 0)>
#map1 = affine_map<(d0, d1) -> (0, 0)>
module attributes {stable_mosaic.version = 14 : i64} {
  func.func @body(%arg0: i32, %arg1: i32, %arg2: memref<1280x5x128xi32, #tpu.memory_space<hbm>>, %arg3: memref<100000x128xf32, #tpu.memory_space<hbm>>, %arg4: memref<819200x128xf32, #tpu.memory_space<hbm>>, %arg5: memref<2x5x128xi32, #tpu.memory_space<vmem>>, %arg6: memref<5x128x128xf32, #tpu.memory_space<vmem>>, %arg7: memref<!tpu.dma_semaphore, #tpu.memory_space<semaphore_mem>>, %arg8: memref<5x!tpu.dma_semaphore, #tpu.memory_space<semaphore_mem>>, %arg9: memref<5x!tpu.dma_semaphore, #tpu.memory_space<semaphore_mem>>) attributes {dimension_semantics = [#tpu.dimension_semantics<core_parallel>, #tpu.dimension_semantics<subcore_parallel>], iteration_bounds = array<i64: 2, 16>, scalar_prefetch = 0 : i64, scratch_operands = 5 : i64, tpu.core_type = #tpu.core_type<sc_vector_subcore>, window_params = [{transform_indices = #map}, {transform_indices = #map1}, {transform_indices = #map1}]} {
    %mul3A = arith.constant 2 : i32
    %mul3A_0 = arith.muli %arg1, %mul3A : i32
    %add3A = arith.addi %mul3A_0, %arg0 : i32
    %mul3A_1 = arith.constant 200 : i32
    %mul3A_2 = arith.muli %add3A, %mul3A_1 : i32
    %mul3A_3 = arith.constant 40 : i32
    %mul3A_4 = arith.muli %add3A, %mul3A_3 : i32
    %add3A_5 = arith.constant 0 : i32
    %add3A_6 = arith.addi %mul3A_4, %add3A_5 : i32
    %dma_start3A = arith.constant 0 : i32
    %dma_start3A_7 = arith.constant 0 : i32
    %dma_start3A_8 = arith.constant 0 : i32
    %dma_start3A_9 = tpu.memref_slice %arg5[%dma_start3A, %dma_start3A_7, %dma_start3A_8] : memref<2x5x128xi32, #tpu.memory_space<vmem>> -> memref<1x5x128xi32, #tpu.memory_space<vmem>>
    %dma_start3A_10 = tpu.memref_squeeze %dma_start3A_9 : memref<1x5x128xi32, #tpu.memory_space<vmem>> -> memref<5x128xi32, #tpu.memory_space<vmem>>
    %dma_start3A_11 = arith.constant 0 : i32
    %dma_start3A_12 = arith.constant 0 : i32
    %dma_start3A_13 = tpu.memref_slice %arg2[%add3A_6, %dma_start3A_11, %dma_start3A_12] : memref<1280x5x128xi32, #tpu.memory_space<hbm>> -> memref<1x5x128xi32, #tpu.memory_space<hbm>>
    %dma_start3A_14 = tpu.memref_squeeze %dma_start3A_13 : memref<1x5x128xi32, #tpu.memory_space<hbm>> -> memref<5x128xi32, #tpu.memory_space<hbm>>
    %dma_start3A_15 = arith.constant 0 : i32
    %dma_start3A_16 = arith.constant 0 : i32
    %dma_start3A_17 = tpu.memref_slice %arg5[%dma_start3A, %dma_start3A_15, %dma_start3A_16] : memref<2x5x128xi32, #tpu.memory_space<vmem>> -> memref<1x5x128xi32, #tpu.memory_space<vmem>>
    %dma_start3A_18 = tpu.memref_squeeze %dma_start3A_17 : memref<1x5x128xi32, #tpu.memory_space<vmem>> -> memref<5x128xi32, #tpu.memory_space<vmem>>
    %dma_start3A_19 = arith.constant 0 : i32
    %dma_start3A_20 = arith.constant 0 : i32
    %dma_start3A_21 = tpu.memref_slice %arg2[%add3A_6, %dma_start3A_19, %dma_start3A_20] : memref<1280x5x128xi32, #tpu.memory_space<hbm>> -> memref<1x5x128xi32, #tpu.memory_space<hbm>>
    %dma_start3A_22 = tpu.memref_squeeze %dma_start3A_21 : memref<1x5x128xi32, #tpu.memory_space<hbm>> -> memref<5x128xi32, #tpu.memory_space<hbm>>
    tpu.enqueue_dma source(%dma_start3A_22 : memref<5x128xi32, #tpu.memory_space<hbm>>) target(%dma_start3A_18 : memref<5x128xi32, #tpu.memory_space<vmem>>) target_semaphore(%arg7 : memref<!tpu.dma_semaphore, #tpu.memory_space<semaphore_mem>>)
    %scan3A = arith.constant 0 : i32
    %scan3A_23 = arith.constant 0 : i32
    %scan3A_24 = arith.constant 20 : i32
    %scan3A_25 = arith.addi %scan3A_23, %scan3A_24 : i32
    %scan3A_26 = arith.constant 1 : i32
    scf.for %scan3A_135 = %scan3A_23 to %scan3A_25 step %scan3A_26  : i32 {
      %mul3A_136 = arith.constant 2 : i32
      %mul3A_137 = arith.muli %mul3A_136, %scan3A_135 : i32
      %add3A_138 = arith.constant 0 : i32
      %add3A_139 = arith.addi %mul3A_137, %add3A_138 : i32
      %dma_wait3A_140 = arith.constant 0 : i32
      %dma_wait3A_141 = arith.constant 0 : i32
      %dma_wait3A_142 = arith.constant 0 : i32
      %dma_wait3A_143 = arith.constant 0 : i32
      %dma_wait3A_144 = tpu.memref_slice %arg5[%dma_wait3A_141, %dma_wait3A_142, %dma_wait3A_143] : memref<2x5x128xi32, #tpu.memory_space<vmem>> -> memref<1x5x128xi32, #tpu.memory_space<vmem>>
      %dma_wait3A_145 = tpu.memref_squeeze %dma_wait3A_144 : memref<1x5x128xi32, #tpu.memory_space<vmem>> -> memref<5x128xi32, #tpu.memory_space<vmem>>
      %dma_wait3A_146 = arith.constant 0 : i32
      %dma_wait3A_147 = arith.constant 0 : i32
      %dma_wait3A_148 = tpu.memref_slice %arg2[%dma_wait3A_140, %dma_wait3A_146, %dma_wait3A_147] : memref<1280x5x128xi32, #tpu.memory_space<hbm>> -> memref<1x5x128xi32, #tpu.memory_space<hbm>>
      %dma_wait3A_149 = tpu.memref_squeeze %dma_wait3A_148 : memref<1x5x128xi32, #tpu.memory_space<hbm>> -> memref<5x128xi32, #tpu.memory_space<hbm>>
      %dma_wait3A_150 = arith.constant 0 : i32
      %dma_wait3A_151 = arith.constant 0 : i32
      %dma_wait3A_152 = tpu.memref_slice %arg5[%dma_wait3A_141, %dma_wait3A_150, %dma_wait3A_151] : memref<2x5x128xi32, #tpu.memory_space<vmem>> -> memref<1x5x128xi32, #tpu.memory_space<vmem>>
      %dma_wait3A_153 = tpu.memref_squeeze %dma_wait3A_152 : memref<1x5x128xi32, #tpu.memory_space<vmem>> -> memref<5x128xi32, #tpu.memory_space<vmem>>
      %dma_wait3A_154 = arith.constant 0 : i32
      %dma_wait3A_155 = arith.constant 0 : i32
      %dma_wait3A_156 = tpu.memref_slice %arg2[%dma_wait3A_140, %dma_wait3A_154, %dma_wait3A_155] : memref<1280x5x128xi32, #tpu.memory_space<hbm>> -> memref<1x5x128xi32, #tpu.memory_space<hbm>>
      %dma_wait3A_157 = tpu.memref_squeeze %dma_wait3A_156 : memref<1x5x128xi32, #tpu.memory_space<hbm>> -> memref<5x128xi32, #tpu.memory_space<hbm>>
      tpu.wait_dma2 semaphore(%arg7 : memref<!tpu.dma_semaphore, #tpu.memory_space<semaphore_mem>>) src(%dma_wait3A_157 : memref<5x128xi32, #tpu.memory_space<hbm>>) dst(%dma_wait3A_153 : memref<5x128xi32, #tpu.memory_space<vmem>>)
      %add3A_158 = arith.constant 1 : i32
      %add3A_159 = arith.addi %add3A_139, %add3A_158 : i32
      %min3A = arith.constant 39 : i32
      %min3A_160 = arith.minsi %add3A_159, %min3A : i32
      %add3A_161 = arith.addi %mul3A_4, %min3A_160 : i32
      %dma_start3A_162 = arith.constant 1 : i32
      %dma_start3A_163 = arith.constant 0 : i32
      %dma_start3A_164 = arith.constant 0 : i32
      %dma_start3A_165 = tpu.memref_slice %arg5[%dma_start3A_162, %dma_start3A_163, %dma_start3A_164] : memref<2x5x128xi32, #tpu.memory_space<vmem>> -> memref<1x5x128xi32, #tpu.memory_space<vmem>>
      %dma_start3A_166 = tpu.memref_squeeze %dma_start3A_165 : memref<1x5x128xi32, #tpu.memory_space<vmem>> -> memref<5x128xi32, #tpu.memory_space<vmem>>
      %dma_start3A_167 = arith.constant 0 : i32
      %dma_start3A_168 = arith.constant 0 : i32
      %dma_start3A_169 = tpu.memref_slice %arg2[%add3A_161, %dma_start3A_167, %dma_start3A_168] : memref<1280x5x128xi32, #tpu.memory_space<hbm>> -> memref<1x5x128xi32, #tpu.memory_space<hbm>>
      %dma_start3A_170 = tpu.memref_squeeze %dma_start3A_169 : memref<1x5x128xi32, #tpu.memory_space<hbm>> -> memref<5x128xi32, #tpu.memory_space<hbm>>
      %dma_start3A_171 = arith.constant 0 : i32
      %dma_start3A_172 = arith.constant 0 : i32
      %dma_start3A_173 = tpu.memref_slice %arg5[%dma_start3A_162, %dma_start3A_171, %dma_start3A_172] : memref<2x5x128xi32, #tpu.memory_space<vmem>> -> memref<1x5x128xi32, #tpu.memory_space<vmem>>
      %dma_start3A_174 = tpu.memref_squeeze %dma_start3A_173 : memref<1x5x128xi32, #tpu.memory_space<vmem>> -> memref<5x128xi32, #tpu.memory_space<vmem>>
      %dma_start3A_175 = arith.constant 0 : i32
      %dma_start3A_176 = arith.constant 0 : i32
      %dma_start3A_177 = tpu.memref_slice %arg2[%add3A_161, %dma_start3A_175, %dma_start3A_176] : memref<1280x5x128xi32, #tpu.memory_space<hbm>> -> memref<1x5x128xi32, #tpu.memory_space<hbm>>
      %dma_start3A_178 = tpu.memref_squeeze %dma_start3A_177 : memref<1x5x128xi32, #tpu.memory_space<hbm>> -> memref<5x128xi32, #tpu.memory_space<hbm>>
      tpu.enqueue_dma source(%dma_start3A_178 : memref<5x128xi32, #tpu.memory_space<hbm>>) target(%dma_start3A_174 : memref<5x128xi32, #tpu.memory_space<vmem>>) target_semaphore(%arg7 : memref<!tpu.dma_semaphore, #tpu.memory_space<semaphore_mem>>)
      %gt3A = arith.constant 0 : i32
      %gt3A_179 = arith.cmpi sgt, %scan3A_135, %gt3A : i32
      %convert_element_type3A = arith.extui %gt3A_179 : i1 to i32
      %cond3A = arith.constant 0 : i32
      %cond3A_180 = arith.cmpi ne, %convert_element_type3A, %cond3A : i32
      scf.if %cond3A_180 {
        %dma_wait3A_865 = arith.constant 0 : i32
        %dma_wait3A_866 = arith.constant 0 : i32
        %dma_wait3A_867 = arith.constant 0 : i32
        %dma_wait3A_868 = arith.constant 0 : i32
        %dma_wait3A_869 = tpu.memref_slice %arg6[%dma_wait3A_865, %dma_wait3A_867, %dma_wait3A_868] : memref<5x128x128xf32, #tpu.memory_space<vmem>> -> memref<1x128x128xf32, #tpu.memory_space<vmem>>
        %dma_wait3A_870 = tpu.memref_squeeze %dma_wait3A_869 : memref<1x128x128xf32, #tpu.memory_space<vmem>> -> memref<128x128xf32, #tpu.memory_space<vmem>>
        %dma_wait3A_871 = arith.constant 0 : i32
        %dma_wait3A_872 = arith.constant 0 : i32
        %dma_wait3A_873 = tpu.memref_slice %arg4[%dma_wait3A_871, %dma_wait3A_872] : memref<819200x128xf32, #tpu.memory_space<hbm>> -> memref<128x128xf32, #tpu.memory_space<hbm>>
        %dma_wait3A_874 = tpu.memref_slice %arg9[%dma_wait3A_866] : memref<5x!tpu.dma_semaphore, #tpu.memory_space<semaphore_mem>> -> memref<1x!tpu.dma_semaphore, #tpu.memory_space<semaphore_mem>>
        %dma_wait3A_875 = tpu.memref_squeeze %dma_wait3A_874 : memref<1x!tpu.dma_semaphore, #tpu.memory_space<semaphore_mem>> -> memref<!tpu.dma_semaphore, #tpu.memory_space<semaphore_mem>>
        %dma_wait3A_876 = arith.constant 0 : i32
        %dma_wait3A_877 = arith.constant 0 : i32
        %dma_wait3A_878 = tpu.memref_slice %arg4[%dma_wait3A_876, %dma_wait3A_877] : memref<819200x128xf32, #tpu.memory_space<hbm>> -> memref<128x128xf32, #tpu.memory_space<hbm>>
        %dma_wait3A_879 = arith.constant 0 : i32
        %dma_wait3A_880 = arith.constant 0 : i32
        %dma_wait3A_881 = tpu.memref_slice %arg6[%dma_wait3A_865, %dma_wait3A_879, %dma_wait3A_880] : memref<5x128x128xf32, #tpu.memory_space<vmem>> -> memref<1x128x128xf32, #tpu.memory_space<vmem>>
        %dma_wait3A_882 = tpu.memref_squeeze %dma_wait3A_881 : memref<1x128x128xf32, #tpu.memory_space<vmem>> -> memref<128x128xf32, #tpu.memory_space<vmem>>
        tpu.wait_dma2 semaphore(%dma_wait3A_875 : memref<!tpu.dma_semaphore, #tpu.memory_space<semaphore_mem>>) src(%dma_wait3A_882 : memref<128x128xf32, #tpu.memory_space<vmem>>) dst(%dma_wait3A_878 : memref<128x128xf32, #tpu.memory_space<hbm>>)
        %dma_wait3A_883 = arith.constant 1 : i32
        %dma_wait3A_884 = arith.constant 1 : i32
        %dma_wait3A_885 = arith.constant 0 : i32
        %dma_wait3A_886 = arith.constant 0 : i32
        %dma_wait3A_887 = tpu.memref_slice %arg6[%dma_wait3A_883, %dma_wait3A_885, %dma_wait3A_886] : memref<5x128x128xf32, #tpu.memory_space<vmem>> -> memref<1x128x128xf32, #tpu.memory_space<vmem>>
        %dma_wait3A_888 = tpu.memref_squeeze %dma_wait3A_887 : memref<1x128x128xf32, #tpu.memory_space<vmem>> -> memref<128x128xf32, #tpu.memory_space<vmem>>
        %dma_wait3A_889 = arith.constant 0 : i32
        %dma_wait3A_890 = arith.constant 0 : i32
        %dma_wait3A_891 = tpu.memref_slice %arg4[%dma_wait3A_889, %dma_wait3A_890] : memref<819200x128xf32, #tpu.memory_space<hbm>> -> memref<128x128xf32, #tpu.memory_space<hbm>>
        %dma_wait3A_892 = tpu.memref_slice %arg9[%dma_wait3A_884] : memref<5x!tpu.dma_semaphore, #tpu.memory_space<semaphore_mem>> -> memref<1x!tpu.dma_semaphore, #tpu.memory_space<semaphore_mem>>
        %dma_wait3A_893 = tpu.memref_squeeze %dma_wait3A_892 : memref<1x!tpu.dma_semaphore, #tpu.memory_space<semaphore_mem>> -> memref<!tpu.dma_semaphore, #tpu.memory_space<semaphore_mem>>
        %dma_wait3A_894 = arith.constant 0 : i32
        %dma_wait3A_895 = arith.constant 0 : i32
        %dma_wait3A_896 = tpu.memref_slice %arg4[%dma_wait3A_894, %dma_wait3A_895] : memref<819200x128xf32, #tpu.memory_space<hbm>> -> memref<128x128xf32, #tpu.memory_space<hbm>>
        %dma_wait3A_897 = arith.constant 0 : i32
        %dma_wait3A_898 = arith.constant 0 : i32
        %dma_wait3A_899 = tpu.memref_slice %arg6[%dma_wait3A_883, %dma_wait3A_897, %dma_wait3A_898] : memref<5x128x128xf32, #tpu.memory_space<vmem>> -> memref<1x128x128xf32, #tpu.memory_space<vmem>>
        %dma_wait3A_900 = tpu.memref_squeeze %dma_wait3A_899 : memref<1x128x128xf32, #tpu.memory_space<vmem>> -> memref<128x128xf32, #tpu.memory_space<vmem>>
        tpu.wait_dma2 semaphore(%dma_wait3A_893 : memref<!tpu.dma_semaphore, #tpu.memory_space<semaphore_mem>>) src(%dma_wait3A_900 : memref<128x128xf32, #tpu.memory_space<vmem>>) dst(%dma_wait3A_896 : memref<128x128xf32, #tpu.memory_space<hbm>>)
        %dma_wait3A_901 = arith.constant 2 : i32
        %dma_wait3A_902 = arith.constant 2 : i32
        %dma_wait3A_903 = arith.constant 0 : i32
        %dma_wait3A_904 = arith.constant 0 : i32
        %dma_wait3A_905 = tpu.memref_slice %arg6[%dma_wait3A_901, %dma_wait3A_903, %dma_wait3A_904] : memref<5x128x128xf32, #tpu.memory_space<vmem>> -> memref<1x128x128xf32, #tpu.memory_space<vmem>>
        %dma_wait3A_906 = tpu.memref_squeeze %dma_wait3A_905 : memref<1x128x128xf32, #tpu.memory_space<vmem>> -> memref<128x128xf32, #tpu.memory_space<vmem>>
        %dma_wait3A_907 = arith.constant 0 : i32
        %dma_wait3A_908 = arith.constant 0 : i32
        %dma_wait3A_909 = tpu.memref_slice %arg4[%dma_wait3A_907, %dma_wait3A_908] : memref<819200x128xf32, #tpu.memory_space<hbm>> -> memref<128x128xf32, #tpu.memory_space<hbm>>
        %dma_wait3A_910 = tpu.memref_slice %arg9[%dma_wait3A_902] : memref<5x!tpu.dma_semaphore, #tpu.memory_space<semaphore_mem>> -> memref<1x!tpu.dma_semaphore, #tpu.memory_space<semaphore_mem>>
        %dma_wait3A_911 = tpu.memref_squeeze %dma_wait3A_910 : memref<1x!tpu.dma_semaphore, #tpu.memory_space<semaphore_mem>> -> memref<!tpu.dma_semaphore, #tpu.memory_space<semaphore_mem>>
        %dma_wait3A_912 = arith.constant 0 : i32
        %dma_wait3A_913 = arith.constant 0 : i32
        %dma_wait3A_914 = tpu.memref_slice %arg4[%dma_wait3A_912, %dma_wait3A_913] : memref<819200x128xf32, #tpu.memory_space<hbm>> -> memref<128x128xf32, #tpu.memory_space<hbm>>
        %dma_wait3A_915 = arith.constant 0 : i32
        %dma_wait3A_916 = arith.constant 0 : i32
        %dma_wait3A_917 = tpu.memref_slice %arg6[%dma_wait3A_901, %dma_wait3A_915, %dma_wait3A_916] : memref<5x128x128xf32, #tpu.memory_space<vmem>> -> memref<1x128x128xf32, #tpu.memory_space<vmem>>
        %dma_wait3A_918 = tpu.memref_squeeze %dma_wait3A_917 : memref<1x128x128xf32, #tpu.memory_space<vmem>> -> memref<128x128xf32, #tpu.memory_space<vmem>>
        tpu.wait_dma2 semaphore(%dma_wait3A_911 : memref<!tpu.dma_semaphore, #tpu.memory_space<semaphore_mem>>) src(%dma_wait3A_918 : memref<128x128xf32, #tpu.memory_space<vmem>>) dst(%dma_wait3A_914 : memref<128x128xf32, #tpu.memory_space<hbm>>)
        %dma_wait3A_919 = arith.constant 3 : i32
        %dma_wait3A_920 = arith.constant 3 : i32
        %dma_wait3A_921 = arith.constant 0 : i32
        %dma_wait3A_922 = arith.constant 0 : i32
        %dma_wait3A_923 = tpu.memref_slice %arg6[%dma_wait3A_919, %dma_wait3A_921, %dma_wait3A_922] : memref<5x128x128xf32, #tpu.memory_space<vmem>> -> memref<1x128x128xf32, #tpu.memory_space<vmem>>
        %dma_wait3A_924 = tpu.memref_squeeze %dma_wait3A_923 : memref<1x128x128xf32, #tpu.memory_space<vmem>> -> memref<128x128xf32, #tpu.memory_space<vmem>>
        %dma_wait3A_925 = arith.constant 0 : i32
        %dma_wait3A_926 = arith.constant 0 : i32
        %dma_wait3A_927 = tpu.memref_slice %arg4[%dma_wait3A_925, %dma_wait3A_926] : memref<819200x128xf32, #tpu.memory_space<hbm>> -> memref<128x128xf32, #tpu.memory_space<hbm>>
        %dma_wait3A_928 = tpu.memref_slice %arg9[%dma_wait3A_920] : memref<5x!tpu.dma_semaphore, #tpu.memory_space<semaphore_mem>> -> memref<1x!tpu.dma_semaphore, #tpu.memory_space<semaphore_mem>>
        %dma_wait3A_929 = tpu.memref_squeeze %dma_wait3A_928 : memref<1x!tpu.dma_semaphore, #tpu.memory_space<semaphore_mem>> -> memref<!tpu.dma_semaphore, #tpu.memory_space<semaphore_mem>>
        %dma_wait3A_930 = arith.constant 0 : i32
        %dma_wait3A_931 = arith.constant 0 : i32
        %dma_wait3A_932 = tpu.memref_slice %arg4[%dma_wait3A_930, %dma_wait3A_931] : memref<819200x128xf32, #tpu.memory_space<hbm>> -> memref<128x128xf32, #tpu.memory_space<hbm>>
        %dma_wait3A_933 = arith.constant 0 : i32
        %dma_wait3A_934 = arith.constant 0 : i32
        %dma_wait3A_935 = tpu.memref_slice %arg6[%dma_wait3A_919, %dma_wait3A_933, %dma_wait3A_934] : memref<5x128x128xf32, #tpu.memory_space<vmem>> -> memref<1x128x128xf32, #tpu.memory_space<vmem>>
        %dma_wait3A_936 = tpu.memref_squeeze %dma_wait3A_935 : memref<1x128x128xf32, #tpu.memory_space<vmem>> -> memref<128x128xf32, #tpu.memory_space<vmem>>
        tpu.wait_dma2 semaphore(%dma_wait3A_929 : memref<!tpu.dma_semaphore, #tpu.memory_space<semaphore_mem>>) src(%dma_wait3A_936 : memref<128x128xf32, #tpu.memory_space<vmem>>) dst(%dma_wait3A_932 : memref<128x128xf32, #tpu.memory_space<hbm>>)
        %dma_wait3A_937 = arith.constant 4 : i32
        %dma_wait3A_938 = arith.constant 4 : i32
        %dma_wait3A_939 = arith.constant 0 : i32
        %dma_wait3A_940 = arith.constant 0 : i32
        %dma_wait3A_941 = tpu.memref_slice %arg6[%dma_wait3A_937, %dma_wait3A_939, %dma_wait3A_940] : memref<5x128x128xf32, #tpu.memory_space<vmem>> -> memref<1x128x128xf32, #tpu.memory_space<vmem>>
        %dma_wait3A_942 = tpu.memref_squeeze %dma_wait3A_941 : memref<1x128x128xf32, #tpu.memory_space<vmem>> -> memref<128x128xf32, #tpu.memory_space<vmem>>
        %dma_wait3A_943 = arith.constant 0 : i32
        %dma_wait3A_944 = arith.constant 0 : i32
        %dma_wait3A_945 = tpu.memref_slice %arg4[%dma_wait3A_943, %dma_wait3A_944] : memref<819200x128xf32, #tpu.memory_space<hbm>> -> memref<128x128xf32, #tpu.memory_space<hbm>>
        %dma_wait3A_946 = tpu.memref_slice %arg9[%dma_wait3A_938] : memref<5x!tpu.dma_semaphore, #tpu.memory_space<semaphore_mem>> -> memref<1x!tpu.dma_semaphore, #tpu.memory_space<semaphore_mem>>
        %dma_wait3A_947 = tpu.memref_squeeze %dma_wait3A_946 : memref<1x!tpu.dma_semaphore, #tpu.memory_space<semaphore_mem>> -> memref<!tpu.dma_semaphore, #tpu.memory_space<semaphore_mem>>
        %dma_wait3A_948 = arith.constant 0 : i32
        %dma_wait3A_949 = arith.constant 0 : i32
        %dma_wait3A_950 = tpu.memref_slice %arg4[%dma_wait3A_948, %dma_wait3A_949] : memref<819200x128xf32, #tpu.memory_space<hbm>> -> memref<128x128xf32, #tpu.memory_space<hbm>>
        %dma_wait3A_951 = arith.constant 0 : i32
        %dma_wait3A_952 = arith.constant 0 : i32
        %dma_wait3A_953 = tpu.memref_slice %arg6[%dma_wait3A_937, %dma_wait3A_951, %dma_wait3A_952] : memref<5x128x128xf32, #tpu.memory_space<vmem>> -> memref<1x128x128xf32, #tpu.memory_space<vmem>>
        %dma_wait3A_954 = tpu.memref_squeeze %dma_wait3A_953 : memref<1x128x128xf32, #tpu.memory_space<vmem>> -> memref<128x128xf32, #tpu.memory_space<vmem>>
        tpu.wait_dma2 semaphore(%dma_wait3A_947 : memref<!tpu.dma_semaphore, #tpu.memory_space<semaphore_mem>>) src(%dma_wait3A_954 : memref<128x128xf32, #tpu.memory_space<vmem>>) dst(%dma_wait3A_950 : memref<128x128xf32, #tpu.memory_space<hbm>>)
      } else {
      }
      %dma_start3A_181 = arith.constant 0 : i32
      %dma_start3A_182 = arith.constant 0 : i32
      %dma_start3A_183 = arith.constant 0 : i32
      %dma_start3A_184 = arith.constant 0 : i32
      %dma_start3A_185 = arith.constant 0 : i32
      %dma_start3A_186 = arith.constant 0 : i32
      %dma_start3A_187 = tpu.memref_slice %arg6[%dma_start3A_183, %dma_start3A_185, %dma_start3A_186] : memref<5x128x128xf32, #tpu.memory_space<vmem>> -> memref<1x128x128xf32, #tpu.memory_space<vmem>>
      %dma_start3A_188 = tpu.memref_squeeze %dma_start3A_187 : memref<1x128x128xf32, #tpu.memory_space<vmem>> -> memref<128x128xf32, #tpu.memory_space<vmem>>
      %dma_start3A_189 = arith.constant 0 : i32
      %dma_start3A_190 = tpu.memref_slice %arg5[%dma_start3A_181, %dma_start3A_182, %dma_start3A_189] : memref<2x5x128xi32, #tpu.memory_space<vmem>> -> memref<1x1x128xi32, #tpu.memory_space<vmem>>
      %dma_start3A_191 = tpu.memref_squeeze %dma_start3A_190 : memref<1x1x128xi32, #tpu.memory_space<vmem>> -> memref<128xi32, #tpu.memory_space<vmem>>
      %dma_start3A_192 = arith.constant 0 : i32
      %dma_start3A_193 = arith.constant 0 : i32
      %dma_start3A_194 = tpu.memref_slice %arg3[%dma_start3A_192, %dma_start3A_193] : memref<100000x128xf32, #tpu.memory_space<hbm>> -> memref<100000x128xf32, #tpu.memory_space<hbm>>
      %dma_start3A_195 = tpu.memref_slice %arg8[%dma_start3A_184] : memref<5x!tpu.dma_semaphore, #tpu.memory_space<semaphore_mem>> -> memref<1x!tpu.dma_semaphore, #tpu.memory_space<semaphore_mem>>
      %dma_start3A_196 = tpu.memref_squeeze %dma_start3A_195 : memref<1x!tpu.dma_semaphore, #tpu.memory_space<semaphore_mem>> -> memref<!tpu.dma_semaphore, #tpu.memory_space<semaphore_mem>>
      tpu.enqueue_indirect_dma source(%dma_start3A_194 : memref<100000x128xf32, #tpu.memory_space<hbm>>) target(%dma_start3A_188 : memref<128x128xf32, #tpu.memory_space<vmem>>) offsets(%dma_start3A_191 : memref<128xi32, #tpu.memory_space<vmem>>) semaphore(%dma_start3A_196 : memref<!tpu.dma_semaphore, #tpu.memory_space<semaphore_mem>>)
      %dma_start3A_197 = arith.constant 0 : i32
      %dma_start3A_198 = arith.constant 1 : i32
      %dma_start3A_199 = arith.constant 1 : i32
      %dma_start3A_200 = arith.constant 1 : i32
      %dma_start3A_201 = arith.constant 0 : i32
      %dma_start3A_202 = arith.constant 0 : i32
      %dma_start3A_203 = tpu.memref_slice %arg6[%dma_start3A_199, %dma_start3A_201, %dma_start3A_202] : memref<5x128x128xf32, #tpu.memory_space<vmem>> -> memref<1x128x128xf32, #tpu.memory_space<vmem>>
      %dma_start3A_204 = tpu.memref_squeeze %dma_start3A_203 : memref<1x128x128xf32, #tpu.memory_space<vmem>> -> memref<128x128xf32, #tpu.memory_space<vmem>>
      %dma_start3A_205 = arith.constant 0 : i32
      %dma_start3A_206 = tpu.memref_slice %arg5[%dma_start3A_197, %dma_start3A_198, %dma_start3A_205] : memref<2x5x128xi32, #tpu.memory_space<vmem>> -> memref<1x1x128xi32, #tpu.memory_space<vmem>>
      %dma_start3A_207 = tpu.memref_squeeze %dma_start3A_206 : memref<1x1x128xi32, #tpu.memory_space<vmem>> -> memref<128xi32, #tpu.memory_space<vmem>>
      %dma_start3A_208 = arith.constant 0 : i32
      %dma_start3A_209 = arith.constant 0 : i32
      %dma_start3A_210 = tpu.memref_slice %arg3[%dma_start3A_208, %dma_start3A_209] : memref<100000x128xf32, #tpu.memory_space<hbm>> -> memref<100000x128xf32, #tpu.memory_space<hbm>>
      %dma_start3A_211 = tpu.memref_slice %arg8[%dma_start3A_200] : memref<5x!tpu.dma_semaphore, #tpu.memory_space<semaphore_mem>> -> memref<1x!tpu.dma_semaphore, #tpu.memory_space<semaphore_mem>>
      %dma_start3A_212 = tpu.memref_squeeze %dma_start3A_211 : memref<1x!tpu.dma_semaphore, #tpu.memory_space<semaphore_mem>> -> memref<!tpu.dma_semaphore, #tpu.memory_space<semaphore_mem>>
      tpu.enqueue_indirect_dma source(%dma_start3A_210 : memref<100000x128xf32, #tpu.memory_space<hbm>>) target(%dma_start3A_204 : memref<128x128xf32, #tpu.memory_space<vmem>>) offsets(%dma_start3A_207 : memref<128xi32, #tpu.memory_space<vmem>>) semaphore(%dma_start3A_212 : memref<!tpu.dma_semaphore, #tpu.memory_space<semaphore_mem>>)
      %dma_start3A_213 = arith.constant 0 : i32
      %dma_start3A_214 = arith.constant 2 : i32
      %dma_start3A_215 = arith.constant 2 : i32
      %dma_start3A_216 = arith.constant 2 : i32
      %dma_start3A_217 = arith.constant 0 : i32
      %dma_start3A_218 = arith.constant 0 : i32
      %dma_start3A_219 = tpu.memref_slice %arg6[%dma_start3A_215, %dma_start3A_217, %dma_start3A_218] : memref<5x128x128xf32, #tpu.memory_space<vmem>> -> memref<1x128x128xf32, #tpu.memory_space<vmem>>
      %dma_start3A_220 = tpu.memref_squeeze %dma_start3A_219 : memref<1x128x128xf32, #tpu.memory_space<vmem>> -> memref<128x128xf32, #tpu.memory_space<vmem>>
      %dma_start3A_221 = arith.constant 0 : i32
      %dma_start3A_222 = tpu.memref_slice %arg5[%dma_start3A_213, %dma_start3A_214, %dma_start3A_221] : memref<2x5x128xi32, #tpu.memory_space<vmem>> -> memref<1x1x128xi32, #tpu.memory_space<vmem>>
      %dma_start3A_223 = tpu.memref_squeeze %dma_start3A_222 : memref<1x1x128xi32, #tpu.memory_space<vmem>> -> memref<128xi32, #tpu.memory_space<vmem>>
      %dma_start3A_224 = arith.constant 0 : i32
      %dma_start3A_225 = arith.constant 0 : i32
      %dma_start3A_226 = tpu.memref_slice %arg3[%dma_start3A_224, %dma_start3A_225] : memref<100000x128xf32, #tpu.memory_space<hbm>> -> memref<100000x128xf32, #tpu.memory_space<hbm>>
      %dma_start3A_227 = tpu.memref_slice %arg8[%dma_start3A_216] : memref<5x!tpu.dma_semaphore, #tpu.memory_space<semaphore_mem>> -> memref<1x!tpu.dma_semaphore, #tpu.memory_space<semaphore_mem>>
      %dma_start3A_228 = tpu.memref_squeeze %dma_start3A_227 : memref<1x!tpu.dma_semaphore, #tpu.memory_space<semaphore_mem>> -> memref<!tpu.dma_semaphore, #tpu.memory_space<semaphore_mem>>
      tpu.enqueue_indirect_dma source(%dma_start3A_226 : memref<100000x128xf32, #tpu.memory_space<hbm>>) target(%dma_start3A_220 : memref<128x128xf32, #tpu.memory_space<vmem>>) offsets(%dma_start3A_223 : memref<128xi32, #tpu.memory_space<vmem>>) semaphore(%dma_start3A_228 : memref<!tpu.dma_semaphore, #tpu.memory_space<semaphore_mem>>)
      %dma_start3A_229 = arith.constant 0 : i32
      %dma_start3A_230 = arith.constant 3 : i32
      %dma_start3A_231 = arith.constant 3 : i32
      %dma_start3A_232 = arith.constant 3 : i32
      %dma_start3A_233 = arith.constant 0 : i32
      %dma_start3A_234 = arith.constant 0 : i32
      %dma_start3A_235 = tpu.memref_slice %arg6[%dma_start3A_231, %dma_start3A_233, %dma_start3A_234] : memref<5x128x128xf32, #tpu.memory_space<vmem>> -> memref<1x128x128xf32, #tpu.memory_space<vmem>>
      %dma_start3A_236 = tpu.memref_squeeze %dma_start3A_235 : memref<1x128x128xf32, #tpu.memory_space<vmem>> -> memref<128x128xf32, #tpu.memory_space<vmem>>
      %dma_start3A_237 = arith.constant 0 : i32
      %dma_start3A_238 = tpu.memref_slice %arg5[%dma_start3A_229, %dma_start3A_230, %dma_start3A_237] : memref<2x5x128xi32, #tpu.memory_space<vmem>> -> memref<1x1x128xi32, #tpu.memory_space<vmem>>
      %dma_start3A_239 = tpu.memref_squeeze %dma_start3A_238 : memref<1x1x128xi32, #tpu.memory_space<vmem>> -> memref<128xi32, #tpu.memory_space<vmem>>
      %dma_start3A_240 = arith.constant 0 : i32
      %dma_start3A_241 = arith.constant 0 : i32
      %dma_start3A_242 = tpu.memref_slice %arg3[%dma_start3A_240, %dma_start3A_241] : memref<100000x128xf32, #tpu.memory_space<hbm>> -> memref<100000x128xf32, #tpu.memory_space<hbm>>
      %dma_start3A_243 = tpu.memref_slice %arg8[%dma_start3A_232] : memref<5x!tpu.dma_semaphore, #tpu.memory_space<semaphore_mem>> -> memref<1x!tpu.dma_semaphore, #tpu.memory_space<semaphore_mem>>
      %dma_start3A_244 = tpu.memref_squeeze %dma_start3A_243 : memref<1x!tpu.dma_semaphore, #tpu.memory_space<semaphore_mem>> -> memref<!tpu.dma_semaphore, #tpu.memory_space<semaphore_mem>>
      tpu.enqueue_indirect_dma source(%dma_start3A_242 : memref<100000x128xf32, #tpu.memory_space<hbm>>) target(%dma_start3A_236 : memref<128x128xf32, #tpu.memory_space<vmem>>) offsets(%dma_start3A_239 : memref<128xi32, #tpu.memory_space<vmem>>) semaphore(%dma_start3A_244 : memref<!tpu.dma_semaphore, #tpu.memory_space<semaphore_mem>>)
      %dma_start3A_245 = arith.constant 0 : i32
      %dma_start3A_246 = arith.constant 4 : i32
      %dma_start3A_247 = arith.constant 4 : i32
      %dma_start3A_248 = arith.constant 4 : i32
      %dma_start3A_249 = arith.constant 0 : i32
      %dma_start3A_250 = arith.constant 0 : i32
      %dma_start3A_251 = tpu.memref_slice %arg6[%dma_start3A_247, %dma_start3A_249, %dma_start3A_250] : memref<5x128x128xf32, #tpu.memory_space<vmem>> -> memref<1x128x128xf32, #tpu.memory_space<vmem>>
      %dma_start3A_252 = tpu.memref_squeeze %dma_start3A_251 : memref<1x128x128xf32, #tpu.memory_space<vmem>> -> memref<128x128xf32, #tpu.memory_space<vmem>>
      %dma_start3A_253 = arith.constant 0 : i32
      %dma_start3A_254 = tpu.memref_slice %arg5[%dma_start3A_245, %dma_start3A_246, %dma_start3A_253] : memref<2x5x128xi32, #tpu.memory_space<vmem>> -> memref<1x1x128xi32, #tpu.memory_space<vmem>>
      %dma_start3A_255 = tpu.memref_squeeze %dma_start3A_254 : memref<1x1x128xi32, #tpu.memory_space<vmem>> -> memref<128xi32, #tpu.memory_space<vmem>>
      %dma_start3A_256 = arith.constant 0 : i32
      %dma_start3A_257 = arith.constant 0 : i32
      %dma_start3A_258 = tpu.memref_slice %arg3[%dma_start3A_256, %dma_start3A_257] : memref<100000x128xf32, #tpu.memory_space<hbm>> -> memref<100000x128xf32, #tpu.memory_space<hbm>>
      %dma_start3A_259 = tpu.memref_slice %arg8[%dma_start3A_248] : memref<5x!tpu.dma_semaphore, #tpu.memory_space<semaphore_mem>> -> memref<1x!tpu.dma_semaphore, #tpu.memory_space<semaphore_mem>>
      %dma_start3A_260 = tpu.memref_squeeze %dma_start3A_259 : memref<1x!tpu.dma_semaphore, #tpu.memory_space<semaphore_mem>> -> memref<!tpu.dma_semaphore, #tpu.memory_space<semaphore_mem>>
      tpu.enqueue_indirect_dma source(%dma_start3A_258 : memref<100000x128xf32, #tpu.memory_space<hbm>>) target(%dma_start3A_252 : memref<128x128xf32, #tpu.memory_space<vmem>>) offsets(%dma_start3A_255 : memref<128xi32, #tpu.memory_space<vmem>>) semaphore(%dma_start3A_260 : memref<!tpu.dma_semaphore, #tpu.memory_space<semaphore_mem>>)
      %dma_wait3A_261 = arith.constant 0 : i32
      %dma_wait3A_262 = arith.constant 0 : i32
      %dma_wait3A_263 = arith.constant 0 : i32
      %dma_wait3A_264 = arith.constant 0 : i32
      %dma_wait3A_265 = arith.constant 0 : i32
      %dma_wait3A_266 = arith.constant 0 : i32
      %dma_wait3A_267 = tpu.memref_slice %arg6[%dma_wait3A_263, %dma_wait3A_265, %dma_wait3A_266] : memref<5x128x128xf32, #tpu.memory_space<vmem>> -> memref<1x128x128xf32, #tpu.memory_space<vmem>>
      %dma_wait3A_268 = tpu.memref_squeeze %dma_wait3A_267 : memref<1x128x128xf32, #tpu.memory_space<vmem>> -> memref<128x128xf32, #tpu.memory_space<vmem>>
      %dma_wait3A_269 = arith.constant 0 : i32
      %dma_wait3A_270 = tpu.memref_slice %arg5[%dma_wait3A_261, %dma_wait3A_262, %dma_wait3A_269] : memref<2x5x128xi32, #tpu.memory_space<vmem>> -> memref<1x1x128xi32, #tpu.memory_space<vmem>>
      %dma_wait3A_271 = tpu.memref_squeeze %dma_wait3A_270 : memref<1x1x128xi32, #tpu.memory_space<vmem>> -> memref<128xi32, #tpu.memory_space<vmem>>
      %dma_wait3A_272 = arith.constant 0 : i32
      %dma_wait3A_273 = arith.constant 0 : i32
      %dma_wait3A_274 = tpu.memref_slice %arg3[%dma_wait3A_272, %dma_wait3A_273] : memref<100000x128xf32, #tpu.memory_space<hbm>> -> memref<100000x128xf32, #tpu.memory_space<hbm>>
      %dma_wait3A_275 = tpu.memref_slice %arg8[%dma_wait3A_264] : memref<5x!tpu.dma_semaphore, #tpu.memory_space<semaphore_mem>> -> memref<1x!tpu.dma_semaphore, #tpu.memory_space<semaphore_mem>>
      %dma_wait3A_276 = tpu.memref_squeeze %dma_wait3A_275 : memref<1x!tpu.dma_semaphore, #tpu.memory_space<semaphore_mem>> -> memref<!tpu.dma_semaphore, #tpu.memory_space<semaphore_mem>>
      tpu.wait_indirect_dma semaphore(%dma_wait3A_276 : memref<!tpu.dma_semaphore, #tpu.memory_space<semaphore_mem>>) src(%dma_wait3A_274 : memref<100000x128xf32, #tpu.memory_space<hbm>>) dst(%dma_wait3A_268 : memref<128x128xf32, #tpu.memory_space<vmem>>)
      %mul3A_277 = arith.constant 5 : i32
      %mul3A_278 = arith.muli %add3A_139, %mul3A_277 : i32
      %add3A_279 = arith.addi %mul3A_2, %mul3A_278 : i32
      %add3A_280 = arith.constant 0 : i32
      %add3A_281 = arith.addi %add3A_279, %add3A_280 : i32
      %mul3A_282 = arith.constant 128 : i32
      %mul3A_283 = arith.muli %add3A_281, %mul3A_282 : i32
      %dma_start3A_284 = arith.constant 0 : i32
      %dma_start3A_285 = arith.constant 0 : i32
      %dma_start3A_286 = arith.constant 0 : i32
      %dma_start3A_287 = arith.constant 0 : i32
      %dma_start3A_288 = tpu.memref_slice %arg6[%dma_start3A_284, %dma_start3A_286, %dma_start3A_287] : memref<5x128x128xf32, #tpu.memory_space<vmem>> -> memref<1x128x128xf32, #tpu.memory_space<vmem>>
      %dma_start3A_289 = tpu.memref_squeeze %dma_start3A_288 : memref<1x128x128xf32, #tpu.memory_space<vmem>> -> memref<128x128xf32, #tpu.memory_space<vmem>>
      %dma_start3A_290 = arith.constant 0 : i32
      %dma_start3A_291 = tpu.memref_slice %arg4[%mul3A_283, %dma_start3A_290] : memref<819200x128xf32, #tpu.memory_space<hbm>> -> memref<128x128xf32, #tpu.memory_space<hbm>>
      %dma_start3A_292 = tpu.memref_slice %arg9[%dma_start3A_285] : memref<5x!tpu.dma_semaphore, #tpu.memory_space<semaphore_mem>> -> memref<1x!tpu.dma_semaphore, #tpu.memory_space<semaphore_mem>>
      %dma_start3A_293 = tpu.memref_squeeze %dma_start3A_292 : memref<1x!tpu.dma_semaphore, #tpu.memory_space<semaphore_mem>> -> memref<!tpu.dma_semaphore, #tpu.memory_space<semaphore_mem>>
      %dma_start3A_294 = arith.constant 0 : i32
      %dma_start3A_295 = tpu.memref_slice %arg4[%mul3A_283, %dma_start3A_294] : memref<819200x128xf32, #tpu.memory_space<hbm>> -> memref<128x128xf32, #tpu.memory_space<hbm>>
      %dma_start3A_296 = arith.constant 0 : i32
      %dma_start3A_297 = arith.constant 0 : i32
      %dma_start3A_298 = tpu.memref_slice %arg6[%dma_start3A_284, %dma_start3A_296, %dma_start3A_297] : memref<5x128x128xf32, #tpu.memory_space<vmem>> -> memref<1x128x128xf32, #tpu.memory_space<vmem>>
      %dma_start3A_299 = tpu.memref_squeeze %dma_start3A_298 : memref<1x128x128xf32, #tpu.memory_space<vmem>> -> memref<128x128xf32, #tpu.memory_space<vmem>>
      tpu.enqueue_dma source(%dma_start3A_299 : memref<128x128xf32, #tpu.memory_space<vmem>>) target(%dma_start3A_295 : memref<128x128xf32, #tpu.memory_space<hbm>>) target_semaphore(%dma_start3A_293 : memref<!tpu.dma_semaphore, #tpu.memory_space<semaphore_mem>>)
      %dma_wait3A_300 = arith.constant 0 : i32
      %dma_wait3A_301 = arith.constant 1 : i32
      %dma_wait3A_302 = arith.constant 1 : i32
      %dma_wait3A_303 = arith.constant 1 : i32
      %dma_wait3A_304 = arith.constant 0 : i32
      %dma_wait3A_305 = arith.constant 0 : i32
      %dma_wait3A_306 = tpu.memref_slice %arg6[%dma_wait3A_302, %dma_wait3A_304, %dma_wait3A_305] : memref<5x128x128xf32, #tpu.memory_space<vmem>> -> memref<1x128x128xf32, #tpu.memory_space<vmem>>
      %dma_wait3A_307 = tpu.memref_squeeze %dma_wait3A_306 : memref<1x128x128xf32, #tpu.memory_space<vmem>> -> memref<128x128xf32, #tpu.memory_space<vmem>>
      %dma_wait3A_308 = arith.constant 0 : i32
      %dma_wait3A_309 = tpu.memref_slice %arg5[%dma_wait3A_300, %dma_wait3A_301, %dma_wait3A_308] : memref<2x5x128xi32, #tpu.memory_space<vmem>> -> memref<1x1x128xi32, #tpu.memory_space<vmem>>
      %dma_wait3A_310 = tpu.memref_squeeze %dma_wait3A_309 : memref<1x1x128xi32, #tpu.memory_space<vmem>> -> memref<128xi32, #tpu.memory_space<vmem>>
      %dma_wait3A_311 = arith.constant 0 : i32
      %dma_wait3A_312 = arith.constant 0 : i32
      %dma_wait3A_313 = tpu.memref_slice %arg3[%dma_wait3A_311, %dma_wait3A_312] : memref<100000x128xf32, #tpu.memory_space<hbm>> -> memref<100000x128xf32, #tpu.memory_space<hbm>>
      %dma_wait3A_314 = tpu.memref_slice %arg8[%dma_wait3A_303] : memref<5x!tpu.dma_semaphore, #tpu.memory_space<semaphore_mem>> -> memref<1x!tpu.dma_semaphore, #tpu.memory_space<semaphore_mem>>
      %dma_wait3A_315 = tpu.memref_squeeze %dma_wait3A_314 : memref<1x!tpu.dma_semaphore, #tpu.memory_space<semaphore_mem>> -> memref<!tpu.dma_semaphore, #tpu.memory_space<semaphore_mem>>
      tpu.wait_indirect_dma semaphore(%dma_wait3A_315 : memref<!tpu.dma_semaphore, #tpu.memory_space<semaphore_mem>>) src(%dma_wait3A_313 : memref<100000x128xf32, #tpu.memory_space<hbm>>) dst(%dma_wait3A_307 : memref<128x128xf32, #tpu.memory_space<vmem>>)
      %mul3A_316 = arith.constant 5 : i32
      %mul3A_317 = arith.muli %add3A_139, %mul3A_316 : i32
      %add3A_318 = arith.addi %mul3A_2, %mul3A_317 : i32
      %add3A_319 = arith.constant 1 : i32
      %add3A_320 = arith.addi %add3A_318, %add3A_319 : i32
      %mul3A_321 = arith.constant 128 : i32
      %mul3A_322 = arith.muli %add3A_320, %mul3A_321 : i32
      %dma_start3A_323 = arith.constant 1 : i32
      %dma_start3A_324 = arith.constant 1 : i32
      %dma_start3A_325 = arith.constant 0 : i32
      %dma_start3A_326 = arith.constant 0 : i32
      %dma_start3A_327 = tpu.memref_slice %arg6[%dma_start3A_323, %dma_start3A_325, %dma_start3A_326] : memref<5x128x128xf32, #tpu.memory_space<vmem>> -> memref<1x128x128xf32, #tpu.memory_space<vmem>>
      %dma_start3A_328 = tpu.memref_squeeze %dma_start3A_327 : memref<1x128x128xf32, #tpu.memory_space<vmem>> -> memref<128x128xf32, #tpu.memory_space<vmem>>
      %dma_start3A_329 = arith.constant 0 : i32
      %dma_start3A_330 = tpu.memref_slice %arg4[%mul3A_322, %dma_start3A_329] : memref<819200x128xf32, #tpu.memory_space<hbm>> -> memref<128x128xf32, #tpu.memory_space<hbm>>
      %dma_start3A_331 = tpu.memref_slice %arg9[%dma_start3A_324] : memref<5x!tpu.dma_semaphore, #tpu.memory_space<semaphore_mem>> -> memref<1x!tpu.dma_semaphore, #tpu.memory_space<semaphore_mem>>
      %dma_start3A_332 = tpu.memref_squeeze %dma_start3A_331 : memref<1x!tpu.dma_semaphore, #tpu.memory_space<semaphore_mem>> -> memref<!tpu.dma_semaphore, #tpu.memory_space<semaphore_mem>>
      %dma_start3A_333 = arith.constant 0 : i32
      %dma_start3A_334 = tpu.memref_slice %arg4[%mul3A_322, %dma_start3A_333] : memref<819200x128xf32, #tpu.memory_space<hbm>> -> memref<128x128xf32, #tpu.memory_space<hbm>>
      %dma_start3A_335 = arith.constant 0 : i32
      %dma_start3A_336 = arith.constant 0 : i32
      %dma_start3A_337 = tpu.memref_slice %arg6[%dma_start3A_323, %dma_start3A_335, %dma_start3A_336] : memref<5x128x128xf32, #tpu.memory_space<vmem>> -> memref<1x128x128xf32, #tpu.memory_space<vmem>>
      %dma_start3A_338 = tpu.memref_squeeze %dma_start3A_337 : memref<1x128x128xf32, #tpu.memory_space<vmem>> -> memref<128x128xf32, #tpu.memory_space<vmem>>
      tpu.enqueue_dma source(%dma_start3A_338 : memref<128x128xf32, #tpu.memory_space<vmem>>) target(%dma_start3A_334 : memref<128x128xf32, #tpu.memory_space<hbm>>) target_semaphore(%dma_start3A_332 : memref<!tpu.dma_semaphore, #tpu.memory_space<semaphore_mem>>)
      %dma_wait3A_339 = arith.constant 0 : i32
      %dma_wait3A_340 = arith.constant 2 : i32
      %dma_wait3A_341 = arith.constant 2 : i32
      %dma_wait3A_342 = arith.constant 2 : i32
      %dma_wait3A_343 = arith.constant 0 : i32
      %dma_wait3A_344 = arith.constant 0 : i32
      %dma_wait3A_345 = tpu.memref_slice %arg6[%dma_wait3A_341, %dma_wait3A_343, %dma_wait3A_344] : memref<5x128x128xf32, #tpu.memory_space<vmem>> -> memref<1x128x128xf32, #tpu.memory_space<vmem>>
      %dma_wait3A_346 = tpu.memref_squeeze %dma_wait3A_345 : memref<1x128x128xf32, #tpu.memory_space<vmem>> -> memref<128x128xf32, #tpu.memory_space<vmem>>
      %dma_wait3A_347 = arith.constant 0 : i32
      %dma_wait3A_348 = tpu.memref_slice %arg5[%dma_wait3A_339, %dma_wait3A_340, %dma_wait3A_347] : memref<2x5x128xi32, #tpu.memory_space<vmem>> -> memref<1x1x128xi32, #tpu.memory_space<vmem>>
      %dma_wait3A_349 = tpu.memref_squeeze %dma_wait3A_348 : memref<1x1x128xi32, #tpu.memory_space<vmem>> -> memref<128xi32, #tpu.memory_space<vmem>>
      %dma_wait3A_350 = arith.constant 0 : i32
      %dma_wait3A_351 = arith.constant 0 : i32
      %dma_wait3A_352 = tpu.memref_slice %arg3[%dma_wait3A_350, %dma_wait3A_351] : memref<100000x128xf32, #tpu.memory_space<hbm>> -> memref<100000x128xf32, #tpu.memory_space<hbm>>
      %dma_wait3A_353 = tpu.memref_slice %arg8[%dma_wait3A_342] : memref<5x!tpu.dma_semaphore, #tpu.memory_space<semaphore_mem>> -> memref<1x!tpu.dma_semaphore, #tpu.memory_space<semaphore_mem>>
      %dma_wait3A_354 = tpu.memref_squeeze %dma_wait3A_353 : memref<1x!tpu.dma_semaphore, #tpu.memory_space<semaphore_mem>> -> memref<!tpu.dma_semaphore, #tpu.memory_space<semaphore_mem>>
      tpu.wait_indirect_dma semaphore(%dma_wait3A_354 : memref<!tpu.dma_semaphore, #tpu.memory_space<semaphore_mem>>) src(%dma_wait3A_352 : memref<100000x128xf32, #tpu.memory_space<hbm>>) dst(%dma_wait3A_346 : memref<128x128xf32, #tpu.memory_space<vmem>>)
      %mul3A_355 = arith.constant 5 : i32
      %mul3A_356 = arith.muli %add3A_139, %mul3A_355 : i32
      %add3A_357 = arith.addi %mul3A_2, %mul3A_356 : i32
      %add3A_358 = arith.constant 2 : i32
      %add3A_359 = arith.addi %add3A_357, %add3A_358 : i32
      %mul3A_360 = arith.constant 128 : i32
      %mul3A_361 = arith.muli %add3A_359, %mul3A_360 : i32
      %dma_start3A_362 = arith.constant 2 : i32
      %dma_start3A_363 = arith.constant 2 : i32
      %dma_start3A_364 = arith.constant 0 : i32
      %dma_start3A_365 = arith.constant 0 : i32
      %dma_start3A_366 = tpu.memref_slice %arg6[%dma_start3A_362, %dma_start3A_364, %dma_start3A_365] : memref<5x128x128xf32, #tpu.memory_space<vmem>> -> memref<1x128x128xf32, #tpu.memory_space<vmem>>
      %dma_start3A_367 = tpu.memref_squeeze %dma_start3A_366 : memref<1x128x128xf32, #tpu.memory_space<vmem>> -> memref<128x128xf32, #tpu.memory_space<vmem>>
      %dma_start3A_368 = arith.constant 0 : i32
      %dma_start3A_369 = tpu.memref_slice %arg4[%mul3A_361, %dma_start3A_368] : memref<819200x128xf32, #tpu.memory_space<hbm>> -> memref<128x128xf32, #tpu.memory_space<hbm>>
      %dma_start3A_370 = tpu.memref_slice %arg9[%dma_start3A_363] : memref<5x!tpu.dma_semaphore, #tpu.memory_space<semaphore_mem>> -> memref<1x!tpu.dma_semaphore, #tpu.memory_space<semaphore_mem>>
      %dma_start3A_371 = tpu.memref_squeeze %dma_start3A_370 : memref<1x!tpu.dma_semaphore, #tpu.memory_space<semaphore_mem>> -> memref<!tpu.dma_semaphore, #tpu.memory_space<semaphore_mem>>
      %dma_start3A_372 = arith.constant 0 : i32
      %dma_start3A_373 = tpu.memref_slice %arg4[%mul3A_361, %dma_start3A_372] : memref<819200x128xf32, #tpu.memory_space<hbm>> -> memref<128x128xf32, #tpu.memory_space<hbm>>
      %dma_start3A_374 = arith.constant 0 : i32
      %dma_start3A_375 = arith.constant 0 : i32
      %dma_start3A_376 = tpu.memref_slice %arg6[%dma_start3A_362, %dma_start3A_374, %dma_start3A_375] : memref<5x128x128xf32, #tpu.memory_space<vmem>> -> memref<1x128x128xf32, #tpu.memory_space<vmem>>
      %dma_start3A_377 = tpu.memref_squeeze %dma_start3A_376 : memref<1x128x128xf32, #tpu.memory_space<vmem>> -> memref<128x128xf32, #tpu.memory_space<vmem>>
      tpu.enqueue_dma source(%dma_start3A_377 : memref<128x128xf32, #tpu.memory_space<vmem>>) target(%dma_start3A_373 : memref<128x128xf32, #tpu.memory_space<hbm>>) target_semaphore(%dma_start3A_371 : memref<!tpu.dma_semaphore, #tpu.memory_space<semaphore_mem>>)
      %dma_wait3A_378 = arith.constant 0 : i32
      %dma_wait3A_379 = arith.constant 3 : i32
      %dma_wait3A_380 = arith.constant 3 : i32
      %dma_wait3A_381 = arith.constant 3 : i32
      %dma_wait3A_382 = arith.constant 0 : i32
      %dma_wait3A_383 = arith.constant 0 : i32
      %dma_wait3A_384 = tpu.memref_slice %arg6[%dma_wait3A_380, %dma_wait3A_382, %dma_wait3A_383] : memref<5x128x128xf32, #tpu.memory_space<vmem>> -> memref<1x128x128xf32, #tpu.memory_space<vmem>>
      %dma_wait3A_385 = tpu.memref_squeeze %dma_wait3A_384 : memref<1x128x128xf32, #tpu.memory_space<vmem>> -> memref<128x128xf32, #tpu.memory_space<vmem>>
      %dma_wait3A_386 = arith.constant 0 : i32
      %dma_wait3A_387 = tpu.memref_slice %arg5[%dma_wait3A_378, %dma_wait3A_379, %dma_wait3A_386] : memref<2x5x128xi32, #tpu.memory_space<vmem>> -> memref<1x1x128xi32, #tpu.memory_space<vmem>>
      %dma_wait3A_388 = tpu.memref_squeeze %dma_wait3A_387 : memref<1x1x128xi32, #tpu.memory_space<vmem>> -> memref<128xi32, #tpu.memory_space<vmem>>
      %dma_wait3A_389 = arith.constant 0 : i32
      %dma_wait3A_390 = arith.constant 0 : i32
      %dma_wait3A_391 = tpu.memref_slice %arg3[%dma_wait3A_389, %dma_wait3A_390] : memref<100000x128xf32, #tpu.memory_space<hbm>> -> memref<100000x128xf32, #tpu.memory_space<hbm>>
      %dma_wait3A_392 = tpu.memref_slice %arg8[%dma_wait3A_381] : memref<5x!tpu.dma_semaphore, #tpu.memory_space<semaphore_mem>> -> memref<1x!tpu.dma_semaphore, #tpu.memory_space<semaphore_mem>>
      %dma_wait3A_393 = tpu.memref_squeeze %dma_wait3A_392 : memref<1x!tpu.dma_semaphore, #tpu.memory_space<semaphore_mem>> -> memref<!tpu.dma_semaphore, #tpu.memory_space<semaphore_mem>>
      tpu.wait_indirect_dma semaphore(%dma_wait3A_393 : memref<!tpu.dma_semaphore, #tpu.memory_space<semaphore_mem>>) src(%dma_wait3A_391 : memref<100000x128xf32, #tpu.memory_space<hbm>>) dst(%dma_wait3A_385 : memref<128x128xf32, #tpu.memory_space<vmem>>)
      %mul3A_394 = arith.constant 5 : i32
      %mul3A_395 = arith.muli %add3A_139, %mul3A_394 : i32
      %add3A_396 = arith.addi %mul3A_2, %mul3A_395 : i32
      %add3A_397 = arith.constant 3 : i32
      %add3A_398 = arith.addi %add3A_396, %add3A_397 : i32
      %mul3A_399 = arith.constant 128 : i32
      %mul3A_400 = arith.muli %add3A_398, %mul3A_399 : i32
      %dma_start3A_401 = arith.constant 3 : i32
      %dma_start3A_402 = arith.constant 3 : i32
      %dma_start3A_403 = arith.constant 0 : i32
      %dma_start3A_404 = arith.constant 0 : i32
      %dma_start3A_405 = tpu.memref_slice %arg6[%dma_start3A_401, %dma_start3A_403, %dma_start3A_404] : memref<5x128x128xf32, #tpu.memory_space<vmem>> -> memref<1x128x128xf32, #tpu.memory_space<vmem>>
      %dma_start3A_406 = tpu.memref_squeeze %dma_start3A_405 : memref<1x128x128xf32, #tpu.memory_space<vmem>> -> memref<128x128xf32, #tpu.memory_space<vmem>>
      %dma_start3A_407 = arith.constant 0 : i32
      %dma_start3A_408 = tpu.memref_slice %arg4[%mul3A_400, %dma_start3A_407] : memref<819200x128xf32, #tpu.memory_space<hbm>> -> memref<128x128xf32, #tpu.memory_space<hbm>>
      %dma_start3A_409 = tpu.memref_slice %arg9[%dma_start3A_402] : memref<5x!tpu.dma_semaphore, #tpu.memory_space<semaphore_mem>> -> memref<1x!tpu.dma_semaphore, #tpu.memory_space<semaphore_mem>>
      %dma_start3A_410 = tpu.memref_squeeze %dma_start3A_409 : memref<1x!tpu.dma_semaphore, #tpu.memory_space<semaphore_mem>> -> memref<!tpu.dma_semaphore, #tpu.memory_space<semaphore_mem>>
      %dma_start3A_411 = arith.constant 0 : i32
      %dma_start3A_412 = tpu.memref_slice %arg4[%mul3A_400, %dma_start3A_411] : memref<819200x128xf32, #tpu.memory_space<hbm>> -> memref<128x128xf32, #tpu.memory_space<hbm>>
      %dma_start3A_413 = arith.constant 0 : i32
      %dma_start3A_414 = arith.constant 0 : i32
      %dma_start3A_415 = tpu.memref_slice %arg6[%dma_start3A_401, %dma_start3A_413, %dma_start3A_414] : memref<5x128x128xf32, #tpu.memory_space<vmem>> -> memref<1x128x128xf32, #tpu.memory_space<vmem>>
      %dma_start3A_416 = tpu.memref_squeeze %dma_start3A_415 : memref<1x128x128xf32, #tpu.memory_space<vmem>> -> memref<128x128xf32, #tpu.memory_space<vmem>>
      tpu.enqueue_dma source(%dma_start3A_416 : memref<128x128xf32, #tpu.memory_space<vmem>>) target(%dma_start3A_412 : memref<128x128xf32, #tpu.memory_space<hbm>>) target_semaphore(%dma_start3A_410 : memref<!tpu.dma_semaphore, #tpu.memory_space<semaphore_mem>>)
      %dma_wait3A_417 = arith.constant 0 : i32
      %dma_wait3A_418 = arith.constant 4 : i32
      %dma_wait3A_419 = arith.constant 4 : i32
      %dma_wait3A_420 = arith.constant 4 : i32
      %dma_wait3A_421 = arith.constant 0 : i32
      %dma_wait3A_422 = arith.constant 0 : i32
      %dma_wait3A_423 = tpu.memref_slice %arg6[%dma_wait3A_419, %dma_wait3A_421, %dma_wait3A_422] : memref<5x128x128xf32, #tpu.memory_space<vmem>> -> memref<1x128x128xf32, #tpu.memory_space<vmem>>
      %dma_wait3A_424 = tpu.memref_squeeze %dma_wait3A_423 : memref<1x128x128xf32, #tpu.memory_space<vmem>> -> memref<128x128xf32, #tpu.memory_space<vmem>>
      %dma_wait3A_425 = arith.constant 0 : i32
      %dma_wait3A_426 = tpu.memref_slice %arg5[%dma_wait3A_417, %dma_wait3A_418, %dma_wait3A_425] : memref<2x5x128xi32, #tpu.memory_space<vmem>> -> memref<1x1x128xi32, #tpu.memory_space<vmem>>
      %dma_wait3A_427 = tpu.memref_squeeze %dma_wait3A_426 : memref<1x1x128xi32, #tpu.memory_space<vmem>> -> memref<128xi32, #tpu.memory_space<vmem>>
      %dma_wait3A_428 = arith.constant 0 : i32
      %dma_wait3A_429 = arith.constant 0 : i32
      %dma_wait3A_430 = tpu.memref_slice %arg3[%dma_wait3A_428, %dma_wait3A_429] : memref<100000x128xf32, #tpu.memory_space<hbm>> -> memref<100000x128xf32, #tpu.memory_space<hbm>>
      %dma_wait3A_431 = tpu.memref_slice %arg8[%dma_wait3A_420] : memref<5x!tpu.dma_semaphore, #tpu.memory_space<semaphore_mem>> -> memref<1x!tpu.dma_semaphore, #tpu.memory_space<semaphore_mem>>
      %dma_wait3A_432 = tpu.memref_squeeze %dma_wait3A_431 : memref<1x!tpu.dma_semaphore, #tpu.memory_space<semaphore_mem>> -> memref<!tpu.dma_semaphore, #tpu.memory_space<semaphore_mem>>
      tpu.wait_indirect_dma semaphore(%dma_wait3A_432 : memref<!tpu.dma_semaphore, #tpu.memory_space<semaphore_mem>>) src(%dma_wait3A_430 : memref<100000x128xf32, #tpu.memory_space<hbm>>) dst(%dma_wait3A_424 : memref<128x128xf32, #tpu.memory_space<vmem>>)
      %mul3A_433 = arith.constant 5 : i32
      %mul3A_434 = arith.muli %add3A_139, %mul3A_433 : i32
      %add3A_435 = arith.addi %mul3A_2, %mul3A_434 : i32
      %add3A_436 = arith.constant 4 : i32
      %add3A_437 = arith.addi %add3A_435, %add3A_436 : i32
      %mul3A_438 = arith.constant 128 : i32
      %mul3A_439 = arith.muli %add3A_437, %mul3A_438 : i32
      %dma_start3A_440 = arith.constant 4 : i32
      %dma_start3A_441 = arith.constant 4 : i32
      %dma_start3A_442 = arith.constant 0 : i32
      %dma_start3A_443 = arith.constant 0 : i32
      %dma_start3A_444 = tpu.memref_slice %arg6[%dma_start3A_440, %dma_start3A_442, %dma_start3A_443] : memref<5x128x128xf32, #tpu.memory_space<vmem>> -> memref<1x128x128xf32, #tpu.memory_space<vmem>>
      %dma_start3A_445 = tpu.memref_squeeze %dma_start3A_444 : memref<1x128x128xf32, #tpu.memory_space<vmem>> -> memref<128x128xf32, #tpu.memory_space<vmem>>
      %dma_start3A_446 = arith.constant 0 : i32
      %dma_start3A_447 = tpu.memref_slice %arg4[%mul3A_439, %dma_start3A_446] : memref<819200x128xf32, #tpu.memory_space<hbm>> -> memref<128x128xf32, #tpu.memory_space<hbm>>
      %dma_start3A_448 = tpu.memref_slice %arg9[%dma_start3A_441] : memref<5x!tpu.dma_semaphore, #tpu.memory_space<semaphore_mem>> -> memref<1x!tpu.dma_semaphore, #tpu.memory_space<semaphore_mem>>
      %dma_start3A_449 = tpu.memref_squeeze %dma_start3A_448 : memref<1x!tpu.dma_semaphore, #tpu.memory_space<semaphore_mem>> -> memref<!tpu.dma_semaphore, #tpu.memory_space<semaphore_mem>>
      %dma_start3A_450 = arith.constant 0 : i32
      %dma_start3A_451 = tpu.memref_slice %arg4[%mul3A_439, %dma_start3A_450] : memref<819200x128xf32, #tpu.memory_space<hbm>> -> memref<128x128xf32, #tpu.memory_space<hbm>>
      %dma_start3A_452 = arith.constant 0 : i32
      %dma_start3A_453 = arith.constant 0 : i32
      %dma_start3A_454 = tpu.memref_slice %arg6[%dma_start3A_440, %dma_start3A_452, %dma_start3A_453] : memref<5x128x128xf32, #tpu.memory_space<vmem>> -> memref<1x128x128xf32, #tpu.memory_space<vmem>>
      %dma_start3A_455 = tpu.memref_squeeze %dma_start3A_454 : memref<1x128x128xf32, #tpu.memory_space<vmem>> -> memref<128x128xf32, #tpu.memory_space<vmem>>
      tpu.enqueue_dma source(%dma_start3A_455 : memref<128x128xf32, #tpu.memory_space<vmem>>) target(%dma_start3A_451 : memref<128x128xf32, #tpu.memory_space<hbm>>) target_semaphore(%dma_start3A_449 : memref<!tpu.dma_semaphore, #tpu.memory_space<semaphore_mem>>)
      %mul3A_456 = arith.constant 2 : i32
      %mul3A_457 = arith.muli %mul3A_456, %scan3A_135 : i32
      %add3A_458 = arith.constant 1 : i32
      %add3A_459 = arith.addi %mul3A_457, %add3A_458 : i32
      %dma_wait3A_460 = arith.constant 0 : i32
      %dma_wait3A_461 = arith.constant 1 : i32
      %dma_wait3A_462 = arith.constant 0 : i32
      %dma_wait3A_463 = arith.constant 0 : i32
      %dma_wait3A_464 = tpu.memref_slice %arg5[%dma_wait3A_461, %dma_wait3A_462, %dma_wait3A_463] : memref<2x5x128xi32, #tpu.memory_space<vmem>> -> memref<1x5x128xi32, #tpu.memory_space<vmem>>
      %dma_wait3A_465 = tpu.memref_squeeze %dma_wait3A_464 : memref<1x5x128xi32, #tpu.memory_space<vmem>> -> memref<5x128xi32, #tpu.memory_space<vmem>>
      %dma_wait3A_466 = arith.constant 0 : i32
      %dma_wait3A_467 = arith.constant 0 : i32
      %dma_wait3A_468 = tpu.memref_slice %arg2[%dma_wait3A_460, %dma_wait3A_466, %dma_wait3A_467] : memref<1280x5x128xi32, #tpu.memory_space<hbm>> -> memref<1x5x128xi32, #tpu.memory_space<hbm>>
      %dma_wait3A_469 = tpu.memref_squeeze %dma_wait3A_468 : memref<1x5x128xi32, #tpu.memory_space<hbm>> -> memref<5x128xi32, #tpu.memory_space<hbm>>
      %dma_wait3A_470 = arith.constant 0 : i32
      %dma_wait3A_471 = arith.constant 0 : i32
      %dma_wait3A_472 = tpu.memref_slice %arg5[%dma_wait3A_461, %dma_wait3A_470, %dma_wait3A_471] : memref<2x5x128xi32, #tpu.memory_space<vmem>> -> memref<1x5x128xi32, #tpu.memory_space<vmem>>
      %dma_wait3A_473 = tpu.memref_squeeze %dma_wait3A_472 : memref<1x5x128xi32, #tpu.memory_space<vmem>> -> memref<5x128xi32, #tpu.memory_space<vmem>>
      %dma_wait3A_474 = arith.constant 0 : i32
      %dma_wait3A_475 = arith.constant 0 : i32
      %dma_wait3A_476 = tpu.memref_slice %arg2[%dma_wait3A_460, %dma_wait3A_474, %dma_wait3A_475] : memref<1280x5x128xi32, #tpu.memory_space<hbm>> -> memref<1x5x128xi32, #tpu.memory_space<hbm>>
      %dma_wait3A_477 = tpu.memref_squeeze %dma_wait3A_476 : memref<1x5x128xi32, #tpu.memory_space<hbm>> -> memref<5x128xi32, #tpu.memory_space<hbm>>
      tpu.wait_dma2 semaphore(%arg7 : memref<!tpu.dma_semaphore, #tpu.memory_space<semaphore_mem>>) src(%dma_wait3A_477 : memref<5x128xi32, #tpu.memory_space<hbm>>) dst(%dma_wait3A_473 : memref<5x128xi32, #tpu.memory_space<vmem>>)
      %add3A_478 = arith.constant 1 : i32
      %add3A_479 = arith.addi %add3A_459, %add3A_478 : i32
      %min3A_480 = arith.constant 39 : i32
      %min3A_481 = arith.minsi %add3A_479, %min3A_480 : i32
      %add3A_482 = arith.addi %mul3A_4, %min3A_481 : i32
      %dma_start3A_483 = arith.constant 0 : i32
      %dma_start3A_484 = arith.constant 0 : i32
      %dma_start3A_485 = arith.constant 0 : i32
      %dma_start3A_486 = tpu.memref_slice %arg5[%dma_start3A_483, %dma_start3A_484, %dma_start3A_485] : memref<2x5x128xi32, #tpu.memory_space<vmem>> -> memref<1x5x128xi32, #tpu.memory_space<vmem>>
      %dma_start3A_487 = tpu.memref_squeeze %dma_start3A_486 : memref<1x5x128xi32, #tpu.memory_space<vmem>> -> memref<5x128xi32, #tpu.memory_space<vmem>>
      %dma_start3A_488 = arith.constant 0 : i32
      %dma_start3A_489 = arith.constant 0 : i32
      %dma_start3A_490 = tpu.memref_slice %arg2[%add3A_482, %dma_start3A_488, %dma_start3A_489] : memref<1280x5x128xi32, #tpu.memory_space<hbm>> -> memref<1x5x128xi32, #tpu.memory_space<hbm>>
      %dma_start3A_491 = tpu.memref_squeeze %dma_start3A_490 : memref<1x5x128xi32, #tpu.memory_space<hbm>> -> memref<5x128xi32, #tpu.memory_space<hbm>>
      %dma_start3A_492 = arith.constant 0 : i32
      %dma_start3A_493 = arith.constant 0 : i32
      %dma_start3A_494 = tpu.memref_slice %arg5[%dma_start3A_483, %dma_start3A_492, %dma_start3A_493] : memref<2x5x128xi32, #tpu.memory_space<vmem>> -> memref<1x5x128xi32, #tpu.memory_space<vmem>>
      %dma_start3A_495 = tpu.memref_squeeze %dma_start3A_494 : memref<1x5x128xi32, #tpu.memory_space<vmem>> -> memref<5x128xi32, #tpu.memory_space<vmem>>
      %dma_start3A_496 = arith.constant 0 : i32
      %dma_start3A_497 = arith.constant 0 : i32
      %dma_start3A_498 = tpu.memref_slice %arg2[%add3A_482, %dma_start3A_496, %dma_start3A_497] : memref<1280x5x128xi32, #tpu.memory_space<hbm>> -> memref<1x5x128xi32, #tpu.memory_space<hbm>>
      %dma_start3A_499 = tpu.memref_squeeze %dma_start3A_498 : memref<1x5x128xi32, #tpu.memory_space<hbm>> -> memref<5x128xi32, #tpu.memory_space<hbm>>
      tpu.enqueue_dma source(%dma_start3A_499 : memref<5x128xi32, #tpu.memory_space<hbm>>) target(%dma_start3A_495 : memref<5x128xi32, #tpu.memory_space<vmem>>) target_semaphore(%arg7 : memref<!tpu.dma_semaphore, #tpu.memory_space<semaphore_mem>>)
      %dma_wait3A_500 = arith.constant 0 : i32
      %dma_wait3A_501 = arith.constant 0 : i32
      %dma_wait3A_502 = arith.constant 0 : i32
      %dma_wait3A_503 = arith.constant 0 : i32
      %dma_wait3A_504 = tpu.memref_slice %arg6[%dma_wait3A_500, %dma_wait3A_502, %dma_wait3A_503] : memref<5x128x128xf32, #tpu.memory_space<vmem>> -> memref<1x128x128xf32, #tpu.memory_space<vmem>>
      %dma_wait3A_505 = tpu.memref_squeeze %dma_wait3A_504 : memref<1x128x128xf32, #tpu.memory_space<vmem>> -> memref<128x128xf32, #tpu.memory_space<vmem>>
      %dma_wait3A_506 = arith.constant 0 : i32
      %dma_wait3A_507 = arith.constant 0 : i32
      %dma_wait3A_508 = tpu.memref_slice %arg4[%dma_wait3A_506, %dma_wait3A_507] : memref<819200x128xf32, #tpu.memory_space<hbm>> -> memref<128x128xf32, #tpu.memory_space<hbm>>
      %dma_wait3A_509 = tpu.memref_slice %arg9[%dma_wait3A_501] : memref<5x!tpu.dma_semaphore, #tpu.memory_space<semaphore_mem>> -> memref<1x!tpu.dma_semaphore, #tpu.memory_space<semaphore_mem>>
      %dma_wait3A_510 = tpu.memref_squeeze %dma_wait3A_509 : memref<1x!tpu.dma_semaphore, #tpu.memory_space<semaphore_mem>> -> memref<!tpu.dma_semaphore, #tpu.memory_space<semaphore_mem>>
      %dma_wait3A_511 = arith.constant 0 : i32
      %dma_wait3A_512 = arith.constant 0 : i32
      %dma_wait3A_513 = tpu.memref_slice %arg4[%dma_wait3A_511, %dma_wait3A_512] : memref<819200x128xf32, #tpu.memory_space<hbm>> -> memref<128x128xf32, #tpu.memory_space<hbm>>
      %dma_wait3A_514 = arith.constant 0 : i32
      %dma_wait3A_515 = arith.constant 0 : i32
      %dma_wait3A_516 = tpu.memref_slice %arg6[%dma_wait3A_500, %dma_wait3A_514, %dma_wait3A_515] : memref<5x128x128xf32, #tpu.memory_space<vmem>> -> memref<1x128x128xf32, #tpu.memory_space<vmem>>
      %dma_wait3A_517 = tpu.memref_squeeze %dma_wait3A_516 : memref<1x128x128xf32, #tpu.memory_space<vmem>> -> memref<128x128xf32, #tpu.memory_space<vmem>>
      tpu.wait_dma2 semaphore(%dma_wait3A_510 : memref<!tpu.dma_semaphore, #tpu.memory_space<semaphore_mem>>) src(%dma_wait3A_517 : memref<128x128xf32, #tpu.memory_space<vmem>>) dst(%dma_wait3A_513 : memref<128x128xf32, #tpu.memory_space<hbm>>)
      %dma_wait3A_518 = arith.constant 1 : i32
      %dma_wait3A_519 = arith.constant 1 : i32
      %dma_wait3A_520 = arith.constant 0 : i32
      %dma_wait3A_521 = arith.constant 0 : i32
      %dma_wait3A_522 = tpu.memref_slice %arg6[%dma_wait3A_518, %dma_wait3A_520, %dma_wait3A_521] : memref<5x128x128xf32, #tpu.memory_space<vmem>> -> memref<1x128x128xf32, #tpu.memory_space<vmem>>
      %dma_wait3A_523 = tpu.memref_squeeze %dma_wait3A_522 : memref<1x128x128xf32, #tpu.memory_space<vmem>> -> memref<128x128xf32, #tpu.memory_space<vmem>>
      %dma_wait3A_524 = arith.constant 0 : i32
      %dma_wait3A_525 = arith.constant 0 : i32
      %dma_wait3A_526 = tpu.memref_slice %arg4[%dma_wait3A_524, %dma_wait3A_525] : memref<819200x128xf32, #tpu.memory_space<hbm>> -> memref<128x128xf32, #tpu.memory_space<hbm>>
      %dma_wait3A_527 = tpu.memref_slice %arg9[%dma_wait3A_519] : memref<5x!tpu.dma_semaphore, #tpu.memory_space<semaphore_mem>> -> memref<1x!tpu.dma_semaphore, #tpu.memory_space<semaphore_mem>>
      %dma_wait3A_528 = tpu.memref_squeeze %dma_wait3A_527 : memref<1x!tpu.dma_semaphore, #tpu.memory_space<semaphore_mem>> -> memref<!tpu.dma_semaphore, #tpu.memory_space<semaphore_mem>>
      %dma_wait3A_529 = arith.constant 0 : i32
      %dma_wait3A_530 = arith.constant 0 : i32
      %dma_wait3A_531 = tpu.memref_slice %arg4[%dma_wait3A_529, %dma_wait3A_530] : memref<819200x128xf32, #tpu.memory_space<hbm>> -> memref<128x128xf32, #tpu.memory_space<hbm>>
      %dma_wait3A_532 = arith.constant 0 : i32
      %dma_wait3A_533 = arith.constant 0 : i32
      %dma_wait3A_534 = tpu.memref_slice %arg6[%dma_wait3A_518, %dma_wait3A_532, %dma_wait3A_533] : memref<5x128x128xf32, #tpu.memory_space<vmem>> -> memref<1x128x128xf32, #tpu.memory_space<vmem>>
      %dma_wait3A_535 = tpu.memref_squeeze %dma_wait3A_534 : memref<1x128x128xf32, #tpu.memory_space<vmem>> -> memref<128x128xf32, #tpu.memory_space<vmem>>
      tpu.wait_dma2 semaphore(%dma_wait3A_528 : memref<!tpu.dma_semaphore, #tpu.memory_space<semaphore_mem>>) src(%dma_wait3A_535 : memref<128x128xf32, #tpu.memory_space<vmem>>) dst(%dma_wait3A_531 : memref<128x128xf32, #tpu.memory_space<hbm>>)
      %dma_wait3A_536 = arith.constant 2 : i32
      %dma_wait3A_537 = arith.constant 2 : i32
      %dma_wait3A_538 = arith.constant 0 : i32
      %dma_wait3A_539 = arith.constant 0 : i32
      %dma_wait3A_540 = tpu.memref_slice %arg6[%dma_wait3A_536, %dma_wait3A_538, %dma_wait3A_539] : memref<5x128x128xf32, #tpu.memory_space<vmem>> -> memref<1x128x128xf32, #tpu.memory_space<vmem>>
      %dma_wait3A_541 = tpu.memref_squeeze %dma_wait3A_540 : memref<1x128x128xf32, #tpu.memory_space<vmem>> -> memref<128x128xf32, #tpu.memory_space<vmem>>
      %dma_wait3A_542 = arith.constant 0 : i32
      %dma_wait3A_543 = arith.constant 0 : i32
      %dma_wait3A_544 = tpu.memref_slice %arg4[%dma_wait3A_542, %dma_wait3A_543] : memref<819200x128xf32, #tpu.memory_space<hbm>> -> memref<128x128xf32, #tpu.memory_space<hbm>>
      %dma_wait3A_545 = tpu.memref_slice %arg9[%dma_wait3A_537] : memref<5x!tpu.dma_semaphore, #tpu.memory_space<semaphore_mem>> -> memref<1x!tpu.dma_semaphore, #tpu.memory_space<semaphore_mem>>
      %dma_wait3A_546 = tpu.memref_squeeze %dma_wait3A_545 : memref<1x!tpu.dma_semaphore, #tpu.memory_space<semaphore_mem>> -> memref<!tpu.dma_semaphore, #tpu.memory_space<semaphore_mem>>
      %dma_wait3A_547 = arith.constant 0 : i32
      %dma_wait3A_548 = arith.constant 0 : i32
      %dma_wait3A_549 = tpu.memref_slice %arg4[%dma_wait3A_547, %dma_wait3A_548] : memref<819200x128xf32, #tpu.memory_space<hbm>> -> memref<128x128xf32, #tpu.memory_space<hbm>>
      %dma_wait3A_550 = arith.constant 0 : i32
      %dma_wait3A_551 = arith.constant 0 : i32
      %dma_wait3A_552 = tpu.memref_slice %arg6[%dma_wait3A_536, %dma_wait3A_550, %dma_wait3A_551] : memref<5x128x128xf32, #tpu.memory_space<vmem>> -> memref<1x128x128xf32, #tpu.memory_space<vmem>>
      %dma_wait3A_553 = tpu.memref_squeeze %dma_wait3A_552 : memref<1x128x128xf32, #tpu.memory_space<vmem>> -> memref<128x128xf32, #tpu.memory_space<vmem>>
      tpu.wait_dma2 semaphore(%dma_wait3A_546 : memref<!tpu.dma_semaphore, #tpu.memory_space<semaphore_mem>>) src(%dma_wait3A_553 : memref<128x128xf32, #tpu.memory_space<vmem>>) dst(%dma_wait3A_549 : memref<128x128xf32, #tpu.memory_space<hbm>>)
      %dma_wait3A_554 = arith.constant 3 : i32
      %dma_wait3A_555 = arith.constant 3 : i32
      %dma_wait3A_556 = arith.constant 0 : i32
      %dma_wait3A_557 = arith.constant 0 : i32
      %dma_wait3A_558 = tpu.memref_slice %arg6[%dma_wait3A_554, %dma_wait3A_556, %dma_wait3A_557] : memref<5x128x128xf32, #tpu.memory_space<vmem>> -> memref<1x128x128xf32, #tpu.memory_space<vmem>>
      %dma_wait3A_559 = tpu.memref_squeeze %dma_wait3A_558 : memref<1x128x128xf32, #tpu.memory_space<vmem>> -> memref<128x128xf32, #tpu.memory_space<vmem>>
      %dma_wait3A_560 = arith.constant 0 : i32
      %dma_wait3A_561 = arith.constant 0 : i32
      %dma_wait3A_562 = tpu.memref_slice %arg4[%dma_wait3A_560, %dma_wait3A_561] : memref<819200x128xf32, #tpu.memory_space<hbm>> -> memref<128x128xf32, #tpu.memory_space<hbm>>
      %dma_wait3A_563 = tpu.memref_slice %arg9[%dma_wait3A_555] : memref<5x!tpu.dma_semaphore, #tpu.memory_space<semaphore_mem>> -> memref<1x!tpu.dma_semaphore, #tpu.memory_space<semaphore_mem>>
      %dma_wait3A_564 = tpu.memref_squeeze %dma_wait3A_563 : memref<1x!tpu.dma_semaphore, #tpu.memory_space<semaphore_mem>> -> memref<!tpu.dma_semaphore, #tpu.memory_space<semaphore_mem>>
      %dma_wait3A_565 = arith.constant 0 : i32
      %dma_wait3A_566 = arith.constant 0 : i32
      %dma_wait3A_567 = tpu.memref_slice %arg4[%dma_wait3A_565, %dma_wait3A_566] : memref<819200x128xf32, #tpu.memory_space<hbm>> -> memref<128x128xf32, #tpu.memory_space<hbm>>
      %dma_wait3A_568 = arith.constant 0 : i32
      %dma_wait3A_569 = arith.constant 0 : i32
      %dma_wait3A_570 = tpu.memref_slice %arg6[%dma_wait3A_554, %dma_wait3A_568, %dma_wait3A_569] : memref<5x128x128xf32, #tpu.memory_space<vmem>> -> memref<1x128x128xf32, #tpu.memory_space<vmem>>
      %dma_wait3A_571 = tpu.memref_squeeze %dma_wait3A_570 : memref<1x128x128xf32, #tpu.memory_space<vmem>> -> memref<128x128xf32, #tpu.memory_space<vmem>>
      tpu.wait_dma2 semaphore(%dma_wait3A_564 : memref<!tpu.dma_semaphore, #tpu.memory_space<semaphore_mem>>) src(%dma_wait3A_571 : memref<128x128xf32, #tpu.memory_space<vmem>>) dst(%dma_wait3A_567 : memref<128x128xf32, #tpu.memory_space<hbm>>)
      %dma_wait3A_572 = arith.constant 4 : i32
      %dma_wait3A_573 = arith.constant 4 : i32
      %dma_wait3A_574 = arith.constant 0 : i32
      %dma_wait3A_575 = arith.constant 0 : i32
      %dma_wait3A_576 = tpu.memref_slice %arg6[%dma_wait3A_572, %dma_wait3A_574, %dma_wait3A_575] : memref<5x128x128xf32, #tpu.memory_space<vmem>> -> memref<1x128x128xf32, #tpu.memory_space<vmem>>
      %dma_wait3A_577 = tpu.memref_squeeze %dma_wait3A_576 : memref<1x128x128xf32, #tpu.memory_space<vmem>> -> memref<128x128xf32, #tpu.memory_space<vmem>>
      %dma_wait3A_578 = arith.constant 0 : i32
      %dma_wait3A_579 = arith.constant 0 : i32
      %dma_wait3A_580 = tpu.memref_slice %arg4[%dma_wait3A_578, %dma_wait3A_579] : memref<819200x128xf32, #tpu.memory_space<hbm>> -> memref<128x128xf32, #tpu.memory_space<hbm>>
      %dma_wait3A_581 = tpu.memref_slice %arg9[%dma_wait3A_573] : memref<5x!tpu.dma_semaphore, #tpu.memory_space<semaphore_mem>> -> memref<1x!tpu.dma_semaphore, #tpu.memory_space<semaphore_mem>>
      %dma_wait3A_582 = tpu.memref_squeeze %dma_wait3A_581 : memref<1x!tpu.dma_semaphore, #tpu.memory_space<semaphore_mem>> -> memref<!tpu.dma_semaphore, #tpu.memory_space<semaphore_mem>>
      %dma_wait3A_583 = arith.constant 0 : i32
      %dma_wait3A_584 = arith.constant 0 : i32
      %dma_wait3A_585 = tpu.memref_slice %arg4[%dma_wait3A_583, %dma_wait3A_584] : memref<819200x128xf32, #tpu.memory_space<hbm>> -> memref<128x128xf32, #tpu.memory_space<hbm>>
      %dma_wait3A_586 = arith.constant 0 : i32
      %dma_wait3A_587 = arith.constant 0 : i32
      %dma_wait3A_588 = tpu.memref_slice %arg6[%dma_wait3A_572, %dma_wait3A_586, %dma_wait3A_587] : memref<5x128x128xf32, #tpu.memory_space<vmem>> -> memref<1x128x128xf32, #tpu.memory_space<vmem>>
      %dma_wait3A_589 = tpu.memref_squeeze %dma_wait3A_588 : memref<1x128x128xf32, #tpu.memory_space<vmem>> -> memref<128x128xf32, #tpu.memory_space<vmem>>
      tpu.wait_dma2 semaphore(%dma_wait3A_582 : memref<!tpu.dma_semaphore, #tpu.memory_space<semaphore_mem>>) src(%dma_wait3A_589 : memref<128x128xf32, #tpu.memory_space<vmem>>) dst(%dma_wait3A_585 : memref<128x128xf32, #tpu.memory_space<hbm>>)
      %dma_start3A_590 = arith.constant 1 : i32
      %dma_start3A_591 = arith.constant 0 : i32
      %dma_start3A_592 = arith.constant 0 : i32
      %dma_start3A_593 = arith.constant 0 : i32
      %dma_start3A_594 = arith.constant 0 : i32
      %dma_start3A_595 = arith.constant 0 : i32
      %dma_start3A_596 = tpu.memref_slice %arg6[%dma_start3A_592, %dma_start3A_594, %dma_start3A_595] : memref<5x128x128xf32, #tpu.memory_space<vmem>> -> memref<1x128x128xf32, #tpu.memory_space<vmem>>
      %dma_start3A_597 = tpu.memref_squeeze %dma_start3A_596 : memref<1x128x128xf32, #tpu.memory_space<vmem>> -> memref<128x128xf32, #tpu.memory_space<vmem>>
      %dma_start3A_598 = arith.constant 0 : i32
      %dma_start3A_599 = tpu.memref_slice %arg5[%dma_start3A_590, %dma_start3A_591, %dma_start3A_598] : memref<2x5x128xi32, #tpu.memory_space<vmem>> -> memref<1x1x128xi32, #tpu.memory_space<vmem>>
      %dma_start3A_600 = tpu.memref_squeeze %dma_start3A_599 : memref<1x1x128xi32, #tpu.memory_space<vmem>> -> memref<128xi32, #tpu.memory_space<vmem>>
      %dma_start3A_601 = arith.constant 0 : i32
      %dma_start3A_602 = arith.constant 0 : i32
      %dma_start3A_603 = tpu.memref_slice %arg3[%dma_start3A_601, %dma_start3A_602] : memref<100000x128xf32, #tpu.memory_space<hbm>> -> memref<100000x128xf32, #tpu.memory_space<hbm>>
      %dma_start3A_604 = tpu.memref_slice %arg8[%dma_start3A_593] : memref<5x!tpu.dma_semaphore, #tpu.memory_space<semaphore_mem>> -> memref<1x!tpu.dma_semaphore, #tpu.memory_space<semaphore_mem>>
      %dma_start3A_605 = tpu.memref_squeeze %dma_start3A_604 : memref<1x!tpu.dma_semaphore, #tpu.memory_space<semaphore_mem>> -> memref<!tpu.dma_semaphore, #tpu.memory_space<semaphore_mem>>
      tpu.enqueue_indirect_dma source(%dma_start3A_603 : memref<100000x128xf32, #tpu.memory_space<hbm>>) target(%dma_start3A_597 : memref<128x128xf32, #tpu.memory_space<vmem>>) offsets(%dma_start3A_600 : memref<128xi32, #tpu.memory_space<vmem>>) semaphore(%dma_start3A_605 : memref<!tpu.dma_semaphore, #tpu.memory_space<semaphore_mem>>)
      %dma_start3A_606 = arith.constant 1 : i32
      %dma_start3A_607 = arith.constant 1 : i32
      %dma_start3A_608 = arith.constant 1 : i32
      %dma_start3A_609 = arith.constant 1 : i32
      %dma_start3A_610 = arith.constant 0 : i32
      %dma_start3A_611 = arith.constant 0 : i32
      %dma_start3A_612 = tpu.memref_slice %arg6[%dma_start3A_608, %dma_start3A_610, %dma_start3A_611] : memref<5x128x128xf32, #tpu.memory_space<vmem>> -> memref<1x128x128xf32, #tpu.memory_space<vmem>>
      %dma_start3A_613 = tpu.memref_squeeze %dma_start3A_612 : memref<1x128x128xf32, #tpu.memory_space<vmem>> -> memref<128x128xf32, #tpu.memory_space<vmem>>
      %dma_start3A_614 = arith.constant 0 : i32
      %dma_start3A_615 = tpu.memref_slice %arg5[%dma_start3A_606, %dma_start3A_607, %dma_start3A_614] : memref<2x5x128xi32, #tpu.memory_space<vmem>> -> memref<1x1x128xi32, #tpu.memory_space<vmem>>
      %dma_start3A_616 = tpu.memref_squeeze %dma_start3A_615 : memref<1x1x128xi32, #tpu.memory_space<vmem>> -> memref<128xi32, #tpu.memory_space<vmem>>
      %dma_start3A_617 = arith.constant 0 : i32
      %dma_start3A_618 = arith.constant 0 : i32
      %dma_start3A_619 = tpu.memref_slice %arg3[%dma_start3A_617, %dma_start3A_618] : memref<100000x128xf32, #tpu.memory_space<hbm>> -> memref<100000x128xf32, #tpu.memory_space<hbm>>
      %dma_start3A_620 = tpu.memref_slice %arg8[%dma_start3A_609] : memref<5x!tpu.dma_semaphore, #tpu.memory_space<semaphore_mem>> -> memref<1x!tpu.dma_semaphore, #tpu.memory_space<semaphore_mem>>
      %dma_start3A_621 = tpu.memref_squeeze %dma_start3A_620 : memref<1x!tpu.dma_semaphore, #tpu.memory_space<semaphore_mem>> -> memref<!tpu.dma_semaphore, #tpu.memory_space<semaphore_mem>>
      tpu.enqueue_indirect_dma source(%dma_start3A_619 : memref<100000x128xf32, #tpu.memory_space<hbm>>) target(%dma_start3A_613 : memref<128x128xf32, #tpu.memory_space<vmem>>) offsets(%dma_start3A_616 : memref<128xi32, #tpu.memory_space<vmem>>) semaphore(%dma_start3A_621 : memref<!tpu.dma_semaphore, #tpu.memory_space<semaphore_mem>>)
      %dma_start3A_622 = arith.constant 1 : i32
      %dma_start3A_623 = arith.constant 2 : i32
      %dma_start3A_624 = arith.constant 2 : i32
      %dma_start3A_625 = arith.constant 2 : i32
      %dma_start3A_626 = arith.constant 0 : i32
      %dma_start3A_627 = arith.constant 0 : i32
      %dma_start3A_628 = tpu.memref_slice %arg6[%dma_start3A_624, %dma_start3A_626, %dma_start3A_627] : memref<5x128x128xf32, #tpu.memory_space<vmem>> -> memref<1x128x128xf32, #tpu.memory_space<vmem>>
      %dma_start3A_629 = tpu.memref_squeeze %dma_start3A_628 : memref<1x128x128xf32, #tpu.memory_space<vmem>> -> memref<128x128xf32, #tpu.memory_space<vmem>>
      %dma_start3A_630 = arith.constant 0 : i32
      %dma_start3A_631 = tpu.memref_slice %arg5[%dma_start3A_622, %dma_start3A_623, %dma_start3A_630] : memref<2x5x128xi32, #tpu.memory_space<vmem>> -> memref<1x1x128xi32, #tpu.memory_space<vmem>>
      %dma_start3A_632 = tpu.memref_squeeze %dma_start3A_631 : memref<1x1x128xi32, #tpu.memory_space<vmem>> -> memref<128xi32, #tpu.memory_space<vmem>>
      %dma_start3A_633 = arith.constant 0 : i32
      %dma_start3A_634 = arith.constant 0 : i32
      %dma_start3A_635 = tpu.memref_slice %arg3[%dma_start3A_633, %dma_start3A_634] : memref<100000x128xf32, #tpu.memory_space<hbm>> -> memref<100000x128xf32, #tpu.memory_space<hbm>>
      %dma_start3A_636 = tpu.memref_slice %arg8[%dma_start3A_625] : memref<5x!tpu.dma_semaphore, #tpu.memory_space<semaphore_mem>> -> memref<1x!tpu.dma_semaphore, #tpu.memory_space<semaphore_mem>>
      %dma_start3A_637 = tpu.memref_squeeze %dma_start3A_636 : memref<1x!tpu.dma_semaphore, #tpu.memory_space<semaphore_mem>> -> memref<!tpu.dma_semaphore, #tpu.memory_space<semaphore_mem>>
      tpu.enqueue_indirect_dma source(%dma_start3A_635 : memref<100000x128xf32, #tpu.memory_space<hbm>>) target(%dma_start3A_629 : memref<128x128xf32, #tpu.memory_space<vmem>>) offsets(%dma_start3A_632 : memref<128xi32, #tpu.memory_space<vmem>>) semaphore(%dma_start3A_637 : memref<!tpu.dma_semaphore, #tpu.memory_space<semaphore_mem>>)
      %dma_start3A_638 = arith.constant 1 : i32
      %dma_start3A_639 = arith.constant 3 : i32
      %dma_start3A_640 = arith.constant 3 : i32
      %dma_start3A_641 = arith.constant 3 : i32
      %dma_start3A_642 = arith.constant 0 : i32
      %dma_start3A_643 = arith.constant 0 : i32
      %dma_start3A_644 = tpu.memref_slice %arg6[%dma_start3A_640, %dma_start3A_642, %dma_start3A_643] : memref<5x128x128xf32, #tpu.memory_space<vmem>> -> memref<1x128x128xf32, #tpu.memory_space<vmem>>
      %dma_start3A_645 = tpu.memref_squeeze %dma_start3A_644 : memref<1x128x128xf32, #tpu.memory_space<vmem>> -> memref<128x128xf32, #tpu.memory_space<vmem>>
      %dma_start3A_646 = arith.constant 0 : i32
      %dma_start3A_647 = tpu.memref_slice %arg5[%dma_start3A_638, %dma_start3A_639, %dma_start3A_646] : memref<2x5x128xi32, #tpu.memory_space<vmem>> -> memref<1x1x128xi32, #tpu.memory_space<vmem>>
      %dma_start3A_648 = tpu.memref_squeeze %dma_start3A_647 : memref<1x1x128xi32, #tpu.memory_space<vmem>> -> memref<128xi32, #tpu.memory_space<vmem>>
      %dma_start3A_649 = arith.constant 0 : i32
      %dma_start3A_650 = arith.constant 0 : i32
      %dma_start3A_651 = tpu.memref_slice %arg3[%dma_start3A_649, %dma_start3A_650] : memref<100000x128xf32, #tpu.memory_space<hbm>> -> memref<100000x128xf32, #tpu.memory_space<hbm>>
      %dma_start3A_652 = tpu.memref_slice %arg8[%dma_start3A_641] : memref<5x!tpu.dma_semaphore, #tpu.memory_space<semaphore_mem>> -> memref<1x!tpu.dma_semaphore, #tpu.memory_space<semaphore_mem>>
      %dma_start3A_653 = tpu.memref_squeeze %dma_start3A_652 : memref<1x!tpu.dma_semaphore, #tpu.memory_space<semaphore_mem>> -> memref<!tpu.dma_semaphore, #tpu.memory_space<semaphore_mem>>
      tpu.enqueue_indirect_dma source(%dma_start3A_651 : memref<100000x128xf32, #tpu.memory_space<hbm>>) target(%dma_start3A_645 : memref<128x128xf32, #tpu.memory_space<vmem>>) offsets(%dma_start3A_648 : memref<128xi32, #tpu.memory_space<vmem>>) semaphore(%dma_start3A_653 : memref<!tpu.dma_semaphore, #tpu.memory_space<semaphore_mem>>)
      %dma_start3A_654 = arith.constant 1 : i32
      %dma_start3A_655 = arith.constant 4 : i32
      %dma_start3A_656 = arith.constant 4 : i32
      %dma_start3A_657 = arith.constant 4 : i32
      %dma_start3A_658 = arith.constant 0 : i32
      %dma_start3A_659 = arith.constant 0 : i32
      %dma_start3A_660 = tpu.memref_slice %arg6[%dma_start3A_656, %dma_start3A_658, %dma_start3A_659] : memref<5x128x128xf32, #tpu.memory_space<vmem>> -> memref<1x128x128xf32, #tpu.memory_space<vmem>>
      %dma_start3A_661 = tpu.memref_squeeze %dma_start3A_660 : memref<1x128x128xf32, #tpu.memory_space<vmem>> -> memref<128x128xf32, #tpu.memory_space<vmem>>
      %dma_start3A_662 = arith.constant 0 : i32
      %dma_start3A_663 = tpu.memref_slice %arg5[%dma_start3A_654, %dma_start3A_655, %dma_start3A_662] : memref<2x5x128xi32, #tpu.memory_space<vmem>> -> memref<1x1x128xi32, #tpu.memory_space<vmem>>
      %dma_start3A_664 = tpu.memref_squeeze %dma_start3A_663 : memref<1x1x128xi32, #tpu.memory_space<vmem>> -> memref<128xi32, #tpu.memory_space<vmem>>
      %dma_start3A_665 = arith.constant 0 : i32
      %dma_start3A_666 = arith.constant 0 : i32
      %dma_start3A_667 = tpu.memref_slice %arg3[%dma_start3A_665, %dma_start3A_666] : memref<100000x128xf32, #tpu.memory_space<hbm>> -> memref<100000x128xf32, #tpu.memory_space<hbm>>
      %dma_start3A_668 = tpu.memref_slice %arg8[%dma_start3A_657] : memref<5x!tpu.dma_semaphore, #tpu.memory_space<semaphore_mem>> -> memref<1x!tpu.dma_semaphore, #tpu.memory_space<semaphore_mem>>
      %dma_start3A_669 = tpu.memref_squeeze %dma_start3A_668 : memref<1x!tpu.dma_semaphore, #tpu.memory_space<semaphore_mem>> -> memref<!tpu.dma_semaphore, #tpu.memory_space<semaphore_mem>>
      tpu.enqueue_indirect_dma source(%dma_start3A_667 : memref<100000x128xf32, #tpu.memory_space<hbm>>) target(%dma_start3A_661 : memref<128x128xf32, #tpu.memory_space<vmem>>) offsets(%dma_start3A_664 : memref<128xi32, #tpu.memory_space<vmem>>) semaphore(%dma_start3A_669 : memref<!tpu.dma_semaphore, #tpu.memory_space<semaphore_mem>>)
      %dma_wait3A_670 = arith.constant 1 : i32
      %dma_wait3A_671 = arith.constant 0 : i32
      %dma_wait3A_672 = arith.constant 0 : i32
      %dma_wait3A_673 = arith.constant 0 : i32
      %dma_wait3A_674 = arith.constant 0 : i32
      %dma_wait3A_675 = arith.constant 0 : i32
      %dma_wait3A_676 = tpu.memref_slice %arg6[%dma_wait3A_672, %dma_wait3A_674, %dma_wait3A_675] : memref<5x128x128xf32, #tpu.memory_space<vmem>> -> memref<1x128x128xf32, #tpu.memory_space<vmem>>
      %dma_wait3A_677 = tpu.memref_squeeze %dma_wait3A_676 : memref<1x128x128xf32, #tpu.memory_space<vmem>> -> memref<128x128xf32, #tpu.memory_space<vmem>>
      %dma_wait3A_678 = arith.constant 0 : i32
      %dma_wait3A_679 = tpu.memref_slice %arg5[%dma_wait3A_670, %dma_wait3A_671, %dma_wait3A_678] : memref<2x5x128xi32, #tpu.memory_space<vmem>> -> memref<1x1x128xi32, #tpu.memory_space<vmem>>
      %dma_wait3A_680 = tpu.memref_squeeze %dma_wait3A_679 : memref<1x1x128xi32, #tpu.memory_space<vmem>> -> memref<128xi32, #tpu.memory_space<vmem>>
      %dma_wait3A_681 = arith.constant 0 : i32
      %dma_wait3A_682 = arith.constant 0 : i32
      %dma_wait3A_683 = tpu.memref_slice %arg3[%dma_wait3A_681, %dma_wait3A_682] : memref<100000x128xf32, #tpu.memory_space<hbm>> -> memref<100000x128xf32, #tpu.memory_space<hbm>>
      %dma_wait3A_684 = tpu.memref_slice %arg8[%dma_wait3A_673] : memref<5x!tpu.dma_semaphore, #tpu.memory_space<semaphore_mem>> -> memref<1x!tpu.dma_semaphore, #tpu.memory_space<semaphore_mem>>
      %dma_wait3A_685 = tpu.memref_squeeze %dma_wait3A_684 : memref<1x!tpu.dma_semaphore, #tpu.memory_space<semaphore_mem>> -> memref<!tpu.dma_semaphore, #tpu.memory_space<semaphore_mem>>
      tpu.wait_indirect_dma semaphore(%dma_wait3A_685 : memref<!tpu.dma_semaphore, #tpu.memory_space<semaphore_mem>>) src(%dma_wait3A_683 : memref<100000x128xf32, #tpu.memory_space<hbm>>) dst(%dma_wait3A_677 : memref<128x128xf32, #tpu.memory_space<vmem>>)
      %mul3A_686 = arith.constant 5 : i32
      %mul3A_687 = arith.muli %add3A_459, %mul3A_686 : i32
      %add3A_688 = arith.addi %mul3A_2, %mul3A_687 : i32
      %add3A_689 = arith.constant 0 : i32
      %add3A_690 = arith.addi %add3A_688, %add3A_689 : i32
      %mul3A_691 = arith.constant 128 : i32
      %mul3A_692 = arith.muli %add3A_690, %mul3A_691 : i32
      %dma_start3A_693 = arith.constant 0 : i32
      %dma_start3A_694 = arith.constant 0 : i32
      %dma_start3A_695 = arith.constant 0 : i32
      %dma_start3A_696 = arith.constant 0 : i32
      %dma_start3A_697 = tpu.memref_slice %arg6[%dma_start3A_693, %dma_start3A_695, %dma_start3A_696] : memref<5x128x128xf32, #tpu.memory_space<vmem>> -> memref<1x128x128xf32, #tpu.memory_space<vmem>>
      %dma_start3A_698 = tpu.memref_squeeze %dma_start3A_697 : memref<1x128x128xf32, #tpu.memory_space<vmem>> -> memref<128x128xf32, #tpu.memory_space<vmem>>
      %dma_start3A_699 = arith.constant 0 : i32
      %dma_start3A_700 = tpu.memref_slice %arg4[%mul3A_692, %dma_start3A_699] : memref<819200x128xf32, #tpu.memory_space<hbm>> -> memref<128x128xf32, #tpu.memory_space<hbm>>
      %dma_start3A_701 = tpu.memref_slice %arg9[%dma_start3A_694] : memref<5x!tpu.dma_semaphore, #tpu.memory_space<semaphore_mem>> -> memref<1x!tpu.dma_semaphore, #tpu.memory_space<semaphore_mem>>
      %dma_start3A_702 = tpu.memref_squeeze %dma_start3A_701 : memref<1x!tpu.dma_semaphore, #tpu.memory_space<semaphore_mem>> -> memref<!tpu.dma_semaphore, #tpu.memory_space<semaphore_mem>>
      %dma_start3A_703 = arith.constant 0 : i32
      %dma_start3A_704 = tpu.memref_slice %arg4[%mul3A_692, %dma_start3A_703] : memref<819200x128xf32, #tpu.memory_space<hbm>> -> memref<128x128xf32, #tpu.memory_space<hbm>>
      %dma_start3A_705 = arith.constant 0 : i32
      %dma_start3A_706 = arith.constant 0 : i32
      %dma_start3A_707 = tpu.memref_slice %arg6[%dma_start3A_693, %dma_start3A_705, %dma_start3A_706] : memref<5x128x128xf32, #tpu.memory_space<vmem>> -> memref<1x128x128xf32, #tpu.memory_space<vmem>>
      %dma_start3A_708 = tpu.memref_squeeze %dma_start3A_707 : memref<1x128x128xf32, #tpu.memory_space<vmem>> -> memref<128x128xf32, #tpu.memory_space<vmem>>
      tpu.enqueue_dma source(%dma_start3A_708 : memref<128x128xf32, #tpu.memory_space<vmem>>) target(%dma_start3A_704 : memref<128x128xf32, #tpu.memory_space<hbm>>) target_semaphore(%dma_start3A_702 : memref<!tpu.dma_semaphore, #tpu.memory_space<semaphore_mem>>)
      %dma_wait3A_709 = arith.constant 1 : i32
      %dma_wait3A_710 = arith.constant 1 : i32
      %dma_wait3A_711 = arith.constant 1 : i32
      %dma_wait3A_712 = arith.constant 1 : i32
      %dma_wait3A_713 = arith.constant 0 : i32
      %dma_wait3A_714 = arith.constant 0 : i32
      %dma_wait3A_715 = tpu.memref_slice %arg6[%dma_wait3A_711, %dma_wait3A_713, %dma_wait3A_714] : memref<5x128x128xf32, #tpu.memory_space<vmem>> -> memref<1x128x128xf32, #tpu.memory_space<vmem>>
      %dma_wait3A_716 = tpu.memref_squeeze %dma_wait3A_715 : memref<1x128x128xf32, #tpu.memory_space<vmem>> -> memref<128x128xf32, #tpu.memory_space<vmem>>
      %dma_wait3A_717 = arith.constant 0 : i32
      %dma_wait3A_718 = tpu.memref_slice %arg5[%dma_wait3A_709, %dma_wait3A_710, %dma_wait3A_717] : memref<2x5x128xi32, #tpu.memory_space<vmem>> -> memref<1x1x128xi32, #tpu.memory_space<vmem>>
      %dma_wait3A_719 = tpu.memref_squeeze %dma_wait3A_718 : memref<1x1x128xi32, #tpu.memory_space<vmem>> -> memref<128xi32, #tpu.memory_space<vmem>>
      %dma_wait3A_720 = arith.constant 0 : i32
      %dma_wait3A_721 = arith.constant 0 : i32
      %dma_wait3A_722 = tpu.memref_slice %arg3[%dma_wait3A_720, %dma_wait3A_721] : memref<100000x128xf32, #tpu.memory_space<hbm>> -> memref<100000x128xf32, #tpu.memory_space<hbm>>
      %dma_wait3A_723 = tpu.memref_slice %arg8[%dma_wait3A_712] : memref<5x!tpu.dma_semaphore, #tpu.memory_space<semaphore_mem>> -> memref<1x!tpu.dma_semaphore, #tpu.memory_space<semaphore_mem>>
      %dma_wait3A_724 = tpu.memref_squeeze %dma_wait3A_723 : memref<1x!tpu.dma_semaphore, #tpu.memory_space<semaphore_mem>> -> memref<!tpu.dma_semaphore, #tpu.memory_space<semaphore_mem>>
      tpu.wait_indirect_dma semaphore(%dma_wait3A_724 : memref<!tpu.dma_semaphore, #tpu.memory_space<semaphore_mem>>) src(%dma_wait3A_722 : memref<100000x128xf32, #tpu.memory_space<hbm>>) dst(%dma_wait3A_716 : memref<128x128xf32, #tpu.memory_space<vmem>>)
      %mul3A_725 = arith.constant 5 : i32
      %mul3A_726 = arith.muli %add3A_459, %mul3A_725 : i32
      %add3A_727 = arith.addi %mul3A_2, %mul3A_726 : i32
      %add3A_728 = arith.constant 1 : i32
      %add3A_729 = arith.addi %add3A_727, %add3A_728 : i32
      %mul3A_730 = arith.constant 128 : i32
      %mul3A_731 = arith.muli %add3A_729, %mul3A_730 : i32
      %dma_start3A_732 = arith.constant 1 : i32
      %dma_start3A_733 = arith.constant 1 : i32
      %dma_start3A_734 = arith.constant 0 : i32
      %dma_start3A_735 = arith.constant 0 : i32
      %dma_start3A_736 = tpu.memref_slice %arg6[%dma_start3A_732, %dma_start3A_734, %dma_start3A_735] : memref<5x128x128xf32, #tpu.memory_space<vmem>> -> memref<1x128x128xf32, #tpu.memory_space<vmem>>
      %dma_start3A_737 = tpu.memref_squeeze %dma_start3A_736 : memref<1x128x128xf32, #tpu.memory_space<vmem>> -> memref<128x128xf32, #tpu.memory_space<vmem>>
      %dma_start3A_738 = arith.constant 0 : i32
      %dma_start3A_739 = tpu.memref_slice %arg4[%mul3A_731, %dma_start3A_738] : memref<819200x128xf32, #tpu.memory_space<hbm>> -> memref<128x128xf32, #tpu.memory_space<hbm>>
      %dma_start3A_740 = tpu.memref_slice %arg9[%dma_start3A_733] : memref<5x!tpu.dma_semaphore, #tpu.memory_space<semaphore_mem>> -> memref<1x!tpu.dma_semaphore, #tpu.memory_space<semaphore_mem>>
      %dma_start3A_741 = tpu.memref_squeeze %dma_start3A_740 : memref<1x!tpu.dma_semaphore, #tpu.memory_space<semaphore_mem>> -> memref<!tpu.dma_semaphore, #tpu.memory_space<semaphore_mem>>
      %dma_start3A_742 = arith.constant 0 : i32
      %dma_start3A_743 = tpu.memref_slice %arg4[%mul3A_731, %dma_start3A_742] : memref<819200x128xf32, #tpu.memory_space<hbm>> -> memref<128x128xf32, #tpu.memory_space<hbm>>
      %dma_start3A_744 = arith.constant 0 : i32
      %dma_start3A_745 = arith.constant 0 : i32
      %dma_start3A_746 = tpu.memref_slice %arg6[%dma_start3A_732, %dma_start3A_744, %dma_start3A_745] : memref<5x128x128xf32, #tpu.memory_space<vmem>> -> memref<1x128x128xf32, #tpu.memory_space<vmem>>
      %dma_start3A_747 = tpu.memref_squeeze %dma_start3A_746 : memref<1x128x128xf32, #tpu.memory_space<vmem>> -> memref<128x128xf32, #tpu.memory_space<vmem>>
      tpu.enqueue_dma source(%dma_start3A_747 : memref<128x128xf32, #tpu.memory_space<vmem>>) target(%dma_start3A_743 : memref<128x128xf32, #tpu.memory_space<hbm>>) target_semaphore(%dma_start3A_741 : memref<!tpu.dma_semaphore, #tpu.memory_space<semaphore_mem>>)
      %dma_wait3A_748 = arith.constant 1 : i32
      %dma_wait3A_749 = arith.constant 2 : i32
      %dma_wait3A_750 = arith.constant 2 : i32
      %dma_wait3A_751 = arith.constant 2 : i32
      %dma_wait3A_752 = arith.constant 0 : i32
      %dma_wait3A_753 = arith.constant 0 : i32
      %dma_wait3A_754 = tpu.memref_slice %arg6[%dma_wait3A_750, %dma_wait3A_752, %dma_wait3A_753] : memref<5x128x128xf32, #tpu.memory_space<vmem>> -> memref<1x128x128xf32, #tpu.memory_space<vmem>>
      %dma_wait3A_755 = tpu.memref_squeeze %dma_wait3A_754 : memref<1x128x128xf32, #tpu.memory_space<vmem>> -> memref<128x128xf32, #tpu.memory_space<vmem>>
      %dma_wait3A_756 = arith.constant 0 : i32
      %dma_wait3A_757 = tpu.memref_slice %arg5[%dma_wait3A_748, %dma_wait3A_749, %dma_wait3A_756] : memref<2x5x128xi32, #tpu.memory_space<vmem>> -> memref<1x1x128xi32, #tpu.memory_space<vmem>>
      %dma_wait3A_758 = tpu.memref_squeeze %dma_wait3A_757 : memref<1x1x128xi32, #tpu.memory_space<vmem>> -> memref<128xi32, #tpu.memory_space<vmem>>
      %dma_wait3A_759 = arith.constant 0 : i32
      %dma_wait3A_760 = arith.constant 0 : i32
      %dma_wait3A_761 = tpu.memref_slice %arg3[%dma_wait3A_759, %dma_wait3A_760] : memref<100000x128xf32, #tpu.memory_space<hbm>> -> memref<100000x128xf32, #tpu.memory_space<hbm>>
      %dma_wait3A_762 = tpu.memref_slice %arg8[%dma_wait3A_751] : memref<5x!tpu.dma_semaphore, #tpu.memory_space<semaphore_mem>> -> memref<1x!tpu.dma_semaphore, #tpu.memory_space<semaphore_mem>>
      %dma_wait3A_763 = tpu.memref_squeeze %dma_wait3A_762 : memref<1x!tpu.dma_semaphore, #tpu.memory_space<semaphore_mem>> -> memref<!tpu.dma_semaphore, #tpu.memory_space<semaphore_mem>>
      tpu.wait_indirect_dma semaphore(%dma_wait3A_763 : memref<!tpu.dma_semaphore, #tpu.memory_space<semaphore_mem>>) src(%dma_wait3A_761 : memref<100000x128xf32, #tpu.memory_space<hbm>>) dst(%dma_wait3A_755 : memref<128x128xf32, #tpu.memory_space<vmem>>)
      %mul3A_764 = arith.constant 5 : i32
      %mul3A_765 = arith.muli %add3A_459, %mul3A_764 : i32
      %add3A_766 = arith.addi %mul3A_2, %mul3A_765 : i32
      %add3A_767 = arith.constant 2 : i32
      %add3A_768 = arith.addi %add3A_766, %add3A_767 : i32
      %mul3A_769 = arith.constant 128 : i32
      %mul3A_770 = arith.muli %add3A_768, %mul3A_769 : i32
      %dma_start3A_771 = arith.constant 2 : i32
      %dma_start3A_772 = arith.constant 2 : i32
      %dma_start3A_773 = arith.constant 0 : i32
      %dma_start3A_774 = arith.constant 0 : i32
      %dma_start3A_775 = tpu.memref_slice %arg6[%dma_start3A_771, %dma_start3A_773, %dma_start3A_774] : memref<5x128x128xf32, #tpu.memory_space<vmem>> -> memref<1x128x128xf32, #tpu.memory_space<vmem>>
      %dma_start3A_776 = tpu.memref_squeeze %dma_start3A_775 : memref<1x128x128xf32, #tpu.memory_space<vmem>> -> memref<128x128xf32, #tpu.memory_space<vmem>>
      %dma_start3A_777 = arith.constant 0 : i32
      %dma_start3A_778 = tpu.memref_slice %arg4[%mul3A_770, %dma_start3A_777] : memref<819200x128xf32, #tpu.memory_space<hbm>> -> memref<128x128xf32, #tpu.memory_space<hbm>>
      %dma_start3A_779 = tpu.memref_slice %arg9[%dma_start3A_772] : memref<5x!tpu.dma_semaphore, #tpu.memory_space<semaphore_mem>> -> memref<1x!tpu.dma_semaphore, #tpu.memory_space<semaphore_mem>>
      %dma_start3A_780 = tpu.memref_squeeze %dma_start3A_779 : memref<1x!tpu.dma_semaphore, #tpu.memory_space<semaphore_mem>> -> memref<!tpu.dma_semaphore, #tpu.memory_space<semaphore_mem>>
      %dma_start3A_781 = arith.constant 0 : i32
      %dma_start3A_782 = tpu.memref_slice %arg4[%mul3A_770, %dma_start3A_781] : memref<819200x128xf32, #tpu.memory_space<hbm>> -> memref<128x128xf32, #tpu.memory_space<hbm>>
      %dma_start3A_783 = arith.constant 0 : i32
      %dma_start3A_784 = arith.constant 0 : i32
      %dma_start3A_785 = tpu.memref_slice %arg6[%dma_start3A_771, %dma_start3A_783, %dma_start3A_784] : memref<5x128x128xf32, #tpu.memory_space<vmem>> -> memref<1x128x128xf32, #tpu.memory_space<vmem>>
      %dma_start3A_786 = tpu.memref_squeeze %dma_start3A_785 : memref<1x128x128xf32, #tpu.memory_space<vmem>> -> memref<128x128xf32, #tpu.memory_space<vmem>>
      tpu.enqueue_dma source(%dma_start3A_786 : memref<128x128xf32, #tpu.memory_space<vmem>>) target(%dma_start3A_782 : memref<128x128xf32, #tpu.memory_space<hbm>>) target_semaphore(%dma_start3A_780 : memref<!tpu.dma_semaphore, #tpu.memory_space<semaphore_mem>>)
      %dma_wait3A_787 = arith.constant 1 : i32
      %dma_wait3A_788 = arith.constant 3 : i32
      %dma_wait3A_789 = arith.constant 3 : i32
      %dma_wait3A_790 = arith.constant 3 : i32
      %dma_wait3A_791 = arith.constant 0 : i32
      %dma_wait3A_792 = arith.constant 0 : i32
      %dma_wait3A_793 = tpu.memref_slice %arg6[%dma_wait3A_789, %dma_wait3A_791, %dma_wait3A_792] : memref<5x128x128xf32, #tpu.memory_space<vmem>> -> memref<1x128x128xf32, #tpu.memory_space<vmem>>
      %dma_wait3A_794 = tpu.memref_squeeze %dma_wait3A_793 : memref<1x128x128xf32, #tpu.memory_space<vmem>> -> memref<128x128xf32, #tpu.memory_space<vmem>>
      %dma_wait3A_795 = arith.constant 0 : i32
      %dma_wait3A_796 = tpu.memref_slice %arg5[%dma_wait3A_787, %dma_wait3A_788, %dma_wait3A_795] : memref<2x5x128xi32, #tpu.memory_space<vmem>> -> memref<1x1x128xi32, #tpu.memory_space<vmem>>
      %dma_wait3A_797 = tpu.memref_squeeze %dma_wait3A_796 : memref<1x1x128xi32, #tpu.memory_space<vmem>> -> memref<128xi32, #tpu.memory_space<vmem>>
      %dma_wait3A_798 = arith.constant 0 : i32
      %dma_wait3A_799 = arith.constant 0 : i32
      %dma_wait3A_800 = tpu.memref_slice %arg3[%dma_wait3A_798, %dma_wait3A_799] : memref<100000x128xf32, #tpu.memory_space<hbm>> -> memref<100000x128xf32, #tpu.memory_space<hbm>>
      %dma_wait3A_801 = tpu.memref_slice %arg8[%dma_wait3A_790] : memref<5x!tpu.dma_semaphore, #tpu.memory_space<semaphore_mem>> -> memref<1x!tpu.dma_semaphore, #tpu.memory_space<semaphore_mem>>
      %dma_wait3A_802 = tpu.memref_squeeze %dma_wait3A_801 : memref<1x!tpu.dma_semaphore, #tpu.memory_space<semaphore_mem>> -> memref<!tpu.dma_semaphore, #tpu.memory_space<semaphore_mem>>
      tpu.wait_indirect_dma semaphore(%dma_wait3A_802 : memref<!tpu.dma_semaphore, #tpu.memory_space<semaphore_mem>>) src(%dma_wait3A_800 : memref<100000x128xf32, #tpu.memory_space<hbm>>) dst(%dma_wait3A_794 : memref<128x128xf32, #tpu.memory_space<vmem>>)
      %mul3A_803 = arith.constant 5 : i32
      %mul3A_804 = arith.muli %add3A_459, %mul3A_803 : i32
      %add3A_805 = arith.addi %mul3A_2, %mul3A_804 : i32
      %add3A_806 = arith.constant 3 : i32
      %add3A_807 = arith.addi %add3A_805, %add3A_806 : i32
      %mul3A_808 = arith.constant 128 : i32
      %mul3A_809 = arith.muli %add3A_807, %mul3A_808 : i32
      %dma_start3A_810 = arith.constant 3 : i32
      %dma_start3A_811 = arith.constant 3 : i32
      %dma_start3A_812 = arith.constant 0 : i32
      %dma_start3A_813 = arith.constant 0 : i32
      %dma_start3A_814 = tpu.memref_slice %arg6[%dma_start3A_810, %dma_start3A_812, %dma_start3A_813] : memref<5x128x128xf32, #tpu.memory_space<vmem>> -> memref<1x128x128xf32, #tpu.memory_space<vmem>>
      %dma_start3A_815 = tpu.memref_squeeze %dma_start3A_814 : memref<1x128x128xf32, #tpu.memory_space<vmem>> -> memref<128x128xf32, #tpu.memory_space<vmem>>
      %dma_start3A_816 = arith.constant 0 : i32
      %dma_start3A_817 = tpu.memref_slice %arg4[%mul3A_809, %dma_start3A_816] : memref<819200x128xf32, #tpu.memory_space<hbm>> -> memref<128x128xf32, #tpu.memory_space<hbm>>
      %dma_start3A_818 = tpu.memref_slice %arg9[%dma_start3A_811] : memref<5x!tpu.dma_semaphore, #tpu.memory_space<semaphore_mem>> -> memref<1x!tpu.dma_semaphore, #tpu.memory_space<semaphore_mem>>
      %dma_start3A_819 = tpu.memref_squeeze %dma_start3A_818 : memref<1x!tpu.dma_semaphore, #tpu.memory_space<semaphore_mem>> -> memref<!tpu.dma_semaphore, #tpu.memory_space<semaphore_mem>>
      %dma_start3A_820 = arith.constant 0 : i32
      %dma_start3A_821 = tpu.memref_slice %arg4[%mul3A_809, %dma_start3A_820] : memref<819200x128xf32, #tpu.memory_space<hbm>> -> memref<128x128xf32, #tpu.memory_space<hbm>>
      %dma_start3A_822 = arith.constant 0 : i32
      %dma_start3A_823 = arith.constant 0 : i32
      %dma_start3A_824 = tpu.memref_slice %arg6[%dma_start3A_810, %dma_start3A_822, %dma_start3A_823] : memref<5x128x128xf32, #tpu.memory_space<vmem>> -> memref<1x128x128xf32, #tpu.memory_space<vmem>>
      %dma_start3A_825 = tpu.memref_squeeze %dma_start3A_824 : memref<1x128x128xf32, #tpu.memory_space<vmem>> -> memref<128x128xf32, #tpu.memory_space<vmem>>
      tpu.enqueue_dma source(%dma_start3A_825 : memref<128x128xf32, #tpu.memory_space<vmem>>) target(%dma_start3A_821 : memref<128x128xf32, #tpu.memory_space<hbm>>) target_semaphore(%dma_start3A_819 : memref<!tpu.dma_semaphore, #tpu.memory_space<semaphore_mem>>)
      %dma_wait3A_826 = arith.constant 1 : i32
      %dma_wait3A_827 = arith.constant 4 : i32
      %dma_wait3A_828 = arith.constant 4 : i32
      %dma_wait3A_829 = arith.constant 4 : i32
      %dma_wait3A_830 = arith.constant 0 : i32
      %dma_wait3A_831 = arith.constant 0 : i32
      %dma_wait3A_832 = tpu.memref_slice %arg6[%dma_wait3A_828, %dma_wait3A_830, %dma_wait3A_831] : memref<5x128x128xf32, #tpu.memory_space<vmem>> -> memref<1x128x128xf32, #tpu.memory_space<vmem>>
      %dma_wait3A_833 = tpu.memref_squeeze %dma_wait3A_832 : memref<1x128x128xf32, #tpu.memory_space<vmem>> -> memref<128x128xf32, #tpu.memory_space<vmem>>
      %dma_wait3A_834 = arith.constant 0 : i32
      %dma_wait3A_835 = tpu.memref_slice %arg5[%dma_wait3A_826, %dma_wait3A_827, %dma_wait3A_834] : memref<2x5x128xi32, #tpu.memory_space<vmem>> -> memref<1x1x128xi32, #tpu.memory_space<vmem>>
      %dma_wait3A_836 = tpu.memref_squeeze %dma_wait3A_835 : memref<1x1x128xi32, #tpu.memory_space<vmem>> -> memref<128xi32, #tpu.memory_space<vmem>>
      %dma_wait3A_837 = arith.constant 0 : i32
      %dma_wait3A_838 = arith.constant 0 : i32
      %dma_wait3A_839 = tpu.memref_slice %arg3[%dma_wait3A_837, %dma_wait3A_838] : memref<100000x128xf32, #tpu.memory_space<hbm>> -> memref<100000x128xf32, #tpu.memory_space<hbm>>
      %dma_wait3A_840 = tpu.memref_slice %arg8[%dma_wait3A_829] : memref<5x!tpu.dma_semaphore, #tpu.memory_space<semaphore_mem>> -> memref<1x!tpu.dma_semaphore, #tpu.memory_space<semaphore_mem>>
      %dma_wait3A_841 = tpu.memref_squeeze %dma_wait3A_840 : memref<1x!tpu.dma_semaphore, #tpu.memory_space<semaphore_mem>> -> memref<!tpu.dma_semaphore, #tpu.memory_space<semaphore_mem>>
      tpu.wait_indirect_dma semaphore(%dma_wait3A_841 : memref<!tpu.dma_semaphore, #tpu.memory_space<semaphore_mem>>) src(%dma_wait3A_839 : memref<100000x128xf32, #tpu.memory_space<hbm>>) dst(%dma_wait3A_833 : memref<128x128xf32, #tpu.memory_space<vmem>>)
      %mul3A_842 = arith.constant 5 : i32
      %mul3A_843 = arith.muli %add3A_459, %mul3A_842 : i32
      %add3A_844 = arith.addi %mul3A_2, %mul3A_843 : i32
      %add3A_845 = arith.constant 4 : i32
      %add3A_846 = arith.addi %add3A_844, %add3A_845 : i32
      %mul3A_847 = arith.constant 128 : i32
      %mul3A_848 = arith.muli %add3A_846, %mul3A_847 : i32
      %dma_start3A_849 = arith.constant 4 : i32
      %dma_start3A_850 = arith.constant 4 : i32
      %dma_start3A_851 = arith.constant 0 : i32
      %dma_start3A_852 = arith.constant 0 : i32
      %dma_start3A_853 = tpu.memref_slice %arg6[%dma_start3A_849, %dma_start3A_851, %dma_start3A_852] : memref<5x128x128xf32, #tpu.memory_space<vmem>> -> memref<1x128x128xf32, #tpu.memory_space<vmem>>
      %dma_start3A_854 = tpu.memref_squeeze %dma_start3A_853 : memref<1x128x128xf32, #tpu.memory_space<vmem>> -> memref<128x128xf32, #tpu.memory_space<vmem>>
      %dma_start3A_855 = arith.constant 0 : i32
      %dma_start3A_856 = tpu.memref_slice %arg4[%mul3A_848, %dma_start3A_855] : memref<819200x128xf32, #tpu.memory_space<hbm>> -> memref<128x128xf32, #tpu.memory_space<hbm>>
      %dma_start3A_857 = tpu.memref_slice %arg9[%dma_start3A_850] : memref<5x!tpu.dma_semaphore, #tpu.memory_space<semaphore_mem>> -> memref<1x!tpu.dma_semaphore, #tpu.memory_space<semaphore_mem>>
      %dma_start3A_858 = tpu.memref_squeeze %dma_start3A_857 : memref<1x!tpu.dma_semaphore, #tpu.memory_space<semaphore_mem>> -> memref<!tpu.dma_semaphore, #tpu.memory_space<semaphore_mem>>
      %dma_start3A_859 = arith.constant 0 : i32
      %dma_start3A_860 = tpu.memref_slice %arg4[%mul3A_848, %dma_start3A_859] : memref<819200x128xf32, #tpu.memory_space<hbm>> -> memref<128x128xf32, #tpu.memory_space<hbm>>
      %dma_start3A_861 = arith.constant 0 : i32
      %dma_start3A_862 = arith.constant 0 : i32
      %dma_start3A_863 = tpu.memref_slice %arg6[%dma_start3A_849, %dma_start3A_861, %dma_start3A_862] : memref<5x128x128xf32, #tpu.memory_space<vmem>> -> memref<1x128x128xf32, #tpu.memory_space<vmem>>
      %dma_start3A_864 = tpu.memref_squeeze %dma_start3A_863 : memref<1x128x128xf32, #tpu.memory_space<vmem>> -> memref<128x128xf32, #tpu.memory_space<vmem>>
      tpu.enqueue_dma source(%dma_start3A_864 : memref<128x128xf32, #tpu.memory_space<vmem>>) target(%dma_start3A_860 : memref<128x128xf32, #tpu.memory_space<hbm>>) target_semaphore(%dma_start3A_858 : memref<!tpu.dma_semaphore, #tpu.memory_space<semaphore_mem>>)
    }
    %scan3A_27 = arith.constant 20 : i32
    %dma_wait3A = arith.constant 0 : i32
    %dma_wait3A_28 = arith.constant 0 : i32
    %dma_wait3A_29 = arith.constant 0 : i32
    %dma_wait3A_30 = arith.constant 0 : i32
    %dma_wait3A_31 = tpu.memref_slice %arg5[%dma_wait3A_28, %dma_wait3A_29, %dma_wait3A_30] : memref<2x5x128xi32, #tpu.memory_space<vmem>> -> memref<1x5x128xi32, #tpu.memory_space<vmem>>
    %dma_wait3A_32 = tpu.memref_squeeze %dma_wait3A_31 : memref<1x5x128xi32, #tpu.memory_space<vmem>> -> memref<5x128xi32, #tpu.memory_space<vmem>>
    %dma_wait3A_33 = arith.constant 0 : i32
    %dma_wait3A_34 = arith.constant 0 : i32
    %dma_wait3A_35 = tpu.memref_slice %arg2[%dma_wait3A, %dma_wait3A_33, %dma_wait3A_34] : memref<1280x5x128xi32, #tpu.memory_space<hbm>> -> memref<1x5x128xi32, #tpu.memory_space<hbm>>
    %dma_wait3A_36 = tpu.memref_squeeze %dma_wait3A_35 : memref<1x5x128xi32, #tpu.memory_space<hbm>> -> memref<5x128xi32, #tpu.memory_space<hbm>>
    %dma_wait3A_37 = arith.constant 0 : i32
    %dma_wait3A_38 = arith.constant 0 : i32
    %dma_wait3A_39 = tpu.memref_slice %arg5[%dma_wait3A_28, %dma_wait3A_37, %dma_wait3A_38] : memref<2x5x128xi32, #tpu.memory_space<vmem>> -> memref<1x5x128xi32, #tpu.memory_space<vmem>>
    %dma_wait3A_40 = tpu.memref_squeeze %dma_wait3A_39 : memref<1x5x128xi32, #tpu.memory_space<vmem>> -> memref<5x128xi32, #tpu.memory_space<vmem>>
    %dma_wait3A_41 = arith.constant 0 : i32
    %dma_wait3A_42 = arith.constant 0 : i32
    %dma_wait3A_43 = tpu.memref_slice %arg2[%dma_wait3A, %dma_wait3A_41, %dma_wait3A_42] : memref<1280x5x128xi32, #tpu.memory_space<hbm>> -> memref<1x5x128xi32, #tpu.memory_space<hbm>>
    %dma_wait3A_44 = tpu.memref_squeeze %dma_wait3A_43 : memref<1x5x128xi32, #tpu.memory_space<hbm>> -> memref<5x128xi32, #tpu.memory_space<hbm>>
    tpu.wait_dma2 semaphore(%arg7 : memref<!tpu.dma_semaphore, #tpu.memory_space<semaphore_mem>>) src(%dma_wait3A_44 : memref<5x128xi32, #tpu.memory_space<hbm>>) dst(%dma_wait3A_40 : memref<5x128xi32, #tpu.memory_space<vmem>>)
    %dma_wait3A_45 = arith.constant 0 : i32
    %dma_wait3A_46 = arith.constant 0 : i32
    %dma_wait3A_47 = arith.constant 0 : i32
    %dma_wait3A_48 = arith.constant 0 : i32
    %dma_wait3A_49 = tpu.memref_slice %arg6[%dma_wait3A_45, %dma_wait3A_47, %dma_wait3A_48] : memref<5x128x128xf32, #tpu.memory_space<vmem>> -> memref<1x128x128xf32, #tpu.memory_space<vmem>>
    %dma_wait3A_50 = tpu.memref_squeeze %dma_wait3A_49 : memref<1x128x128xf32, #tpu.memory_space<vmem>> -> memref<128x128xf32, #tpu.memory_space<vmem>>
    %dma_wait3A_51 = arith.constant 0 : i32
    %dma_wait3A_52 = arith.constant 0 : i32
    %dma_wait3A_53 = tpu.memref_slice %arg4[%dma_wait3A_51, %dma_wait3A_52] : memref<819200x128xf32, #tpu.memory_space<hbm>> -> memref<128x128xf32, #tpu.memory_space<hbm>>
    %dma_wait3A_54 = tpu.memref_slice %arg9[%dma_wait3A_46] : memref<5x!tpu.dma_semaphore, #tpu.memory_space<semaphore_mem>> -> memref<1x!tpu.dma_semaphore, #tpu.memory_space<semaphore_mem>>
    %dma_wait3A_55 = tpu.memref_squeeze %dma_wait3A_54 : memref<1x!tpu.dma_semaphore, #tpu.memory_space<semaphore_mem>> -> memref<!tpu.dma_semaphore, #tpu.memory_space<semaphore_mem>>
    %dma_wait3A_56 = arith.constant 0 : i32
    %dma_wait3A_57 = arith.constant 0 : i32
    %dma_wait3A_58 = tpu.memref_slice %arg4[%dma_wait3A_56, %dma_wait3A_57] : memref<819200x128xf32, #tpu.memory_space<hbm>> -> memref<128x128xf32, #tpu.memory_space<hbm>>
    %dma_wait3A_59 = arith.constant 0 : i32
    %dma_wait3A_60 = arith.constant 0 : i32
    %dma_wait3A_61 = tpu.memref_slice %arg6[%dma_wait3A_45, %dma_wait3A_59, %dma_wait3A_60] : memref<5x128x128xf32, #tpu.memory_space<vmem>> -> memref<1x128x128xf32, #tpu.memory_space<vmem>>
    %dma_wait3A_62 = tpu.memref_squeeze %dma_wait3A_61 : memref<1x128x128xf32, #tpu.memory_space<vmem>> -> memref<128x128xf32, #tpu.memory_space<vmem>>
    tpu.wait_dma2 semaphore(%dma_wait3A_55 : memref<!tpu.dma_semaphore, #tpu.memory_space<semaphore_mem>>) src(%dma_wait3A_62 : memref<128x128xf32, #tpu.memory_space<vmem>>) dst(%dma_wait3A_58 : memref<128x128xf32, #tpu.memory_space<hbm>>)
    %dma_wait3A_63 = arith.constant 1 : i32
    %dma_wait3A_64 = arith.constant 1 : i32
    %dma_wait3A_65 = arith.constant 0 : i32
    %dma_wait3A_66 = arith.constant 0 : i32
    %dma_wait3A_67 = tpu.memref_slice %arg6[%dma_wait3A_63, %dma_wait3A_65, %dma_wait3A_66] : memref<5x128x128xf32, #tpu.memory_space<vmem>> -> memref<1x128x128xf32, #tpu.memory_space<vmem>>
    %dma_wait3A_68 = tpu.memref_squeeze %dma_wait3A_67 : memref<1x128x128xf32, #tpu.memory_space<vmem>> -> memref<128x128xf32, #tpu.memory_space<vmem>>
    %dma_wait3A_69 = arith.constant 0 : i32
    %dma_wait3A_70 = arith.constant 0 : i32
    %dma_wait3A_71 = tpu.memref_slice %arg4[%dma_wait3A_69, %dma_wait3A_70] : memref<819200x128xf32, #tpu.memory_space<hbm>> -> memref<128x128xf32, #tpu.memory_space<hbm>>
    %dma_wait3A_72 = tpu.memref_slice %arg9[%dma_wait3A_64] : memref<5x!tpu.dma_semaphore, #tpu.memory_space<semaphore_mem>> -> memref<1x!tpu.dma_semaphore, #tpu.memory_space<semaphore_mem>>
    %dma_wait3A_73 = tpu.memref_squeeze %dma_wait3A_72 : memref<1x!tpu.dma_semaphore, #tpu.memory_space<semaphore_mem>> -> memref<!tpu.dma_semaphore, #tpu.memory_space<semaphore_mem>>
    %dma_wait3A_74 = arith.constant 0 : i32
    %dma_wait3A_75 = arith.constant 0 : i32
    %dma_wait3A_76 = tpu.memref_slice %arg4[%dma_wait3A_74, %dma_wait3A_75] : memref<819200x128xf32, #tpu.memory_space<hbm>> -> memref<128x128xf32, #tpu.memory_space<hbm>>
    %dma_wait3A_77 = arith.constant 0 : i32
    %dma_wait3A_78 = arith.constant 0 : i32
    %dma_wait3A_79 = tpu.memref_slice %arg6[%dma_wait3A_63, %dma_wait3A_77, %dma_wait3A_78] : memref<5x128x128xf32, #tpu.memory_space<vmem>> -> memref<1x128x128xf32, #tpu.memory_space<vmem>>
    %dma_wait3A_80 = tpu.memref_squeeze %dma_wait3A_79 : memref<1x128x128xf32, #tpu.memory_space<vmem>> -> memref<128x128xf32, #tpu.memory_space<vmem>>
    tpu.wait_dma2 semaphore(%dma_wait3A_73 : memref<!tpu.dma_semaphore, #tpu.memory_space<semaphore_mem>>) src(%dma_wait3A_80 : memref<128x128xf32, #tpu.memory_space<vmem>>) dst(%dma_wait3A_76 : memref<128x128xf32, #tpu.memory_space<hbm>>)
    %dma_wait3A_81 = arith.constant 2 : i32
    %dma_wait3A_82 = arith.constant 2 : i32
    %dma_wait3A_83 = arith.constant 0 : i32
    %dma_wait3A_84 = arith.constant 0 : i32
    %dma_wait3A_85 = tpu.memref_slice %arg6[%dma_wait3A_81, %dma_wait3A_83, %dma_wait3A_84] : memref<5x128x128xf32, #tpu.memory_space<vmem>> -> memref<1x128x128xf32, #tpu.memory_space<vmem>>
    %dma_wait3A_86 = tpu.memref_squeeze %dma_wait3A_85 : memref<1x128x128xf32, #tpu.memory_space<vmem>> -> memref<128x128xf32, #tpu.memory_space<vmem>>
    %dma_wait3A_87 = arith.constant 0 : i32
    %dma_wait3A_88 = arith.constant 0 : i32
    %dma_wait3A_89 = tpu.memref_slice %arg4[%dma_wait3A_87, %dma_wait3A_88] : memref<819200x128xf32, #tpu.memory_space<hbm>> -> memref<128x128xf32, #tpu.memory_space<hbm>>
    %dma_wait3A_90 = tpu.memref_slice %arg9[%dma_wait3A_82] : memref<5x!tpu.dma_semaphore, #tpu.memory_space<semaphore_mem>> -> memref<1x!tpu.dma_semaphore, #tpu.memory_space<semaphore_mem>>
    %dma_wait3A_91 = tpu.memref_squeeze %dma_wait3A_90 : memref<1x!tpu.dma_semaphore, #tpu.memory_space<semaphore_mem>> -> memref<!tpu.dma_semaphore, #tpu.memory_space<semaphore_mem>>
    %dma_wait3A_92 = arith.constant 0 : i32
    %dma_wait3A_93 = arith.constant 0 : i32
    %dma_wait3A_94 = tpu.memref_slice %arg4[%dma_wait3A_92, %dma_wait3A_93] : memref<819200x128xf32, #tpu.memory_space<hbm>> -> memref<128x128xf32, #tpu.memory_space<hbm>>
    %dma_wait3A_95 = arith.constant 0 : i32
    %dma_wait3A_96 = arith.constant 0 : i32
    %dma_wait3A_97 = tpu.memref_slice %arg6[%dma_wait3A_81, %dma_wait3A_95, %dma_wait3A_96] : memref<5x128x128xf32, #tpu.memory_space<vmem>> -> memref<1x128x128xf32, #tpu.memory_space<vmem>>
    %dma_wait3A_98 = tpu.memref_squeeze %dma_wait3A_97 : memref<1x128x128xf32, #tpu.memory_space<vmem>> -> memref<128x128xf32, #tpu.memory_space<vmem>>
    tpu.wait_dma2 semaphore(%dma_wait3A_91 : memref<!tpu.dma_semaphore, #tpu.memory_space<semaphore_mem>>) src(%dma_wait3A_98 : memref<128x128xf32, #tpu.memory_space<vmem>>) dst(%dma_wait3A_94 : memref<128x128xf32, #tpu.memory_space<hbm>>)
    %dma_wait3A_99 = arith.constant 3 : i32
    %dma_wait3A_100 = arith.constant 3 : i32
    %dma_wait3A_101 = arith.constant 0 : i32
    %dma_wait3A_102 = arith.constant 0 : i32
    %dma_wait3A_103 = tpu.memref_slice %arg6[%dma_wait3A_99, %dma_wait3A_101, %dma_wait3A_102] : memref<5x128x128xf32, #tpu.memory_space<vmem>> -> memref<1x128x128xf32, #tpu.memory_space<vmem>>
    %dma_wait3A_104 = tpu.memref_squeeze %dma_wait3A_103 : memref<1x128x128xf32, #tpu.memory_space<vmem>> -> memref<128x128xf32, #tpu.memory_space<vmem>>
    %dma_wait3A_105 = arith.constant 0 : i32
    %dma_wait3A_106 = arith.constant 0 : i32
    %dma_wait3A_107 = tpu.memref_slice %arg4[%dma_wait3A_105, %dma_wait3A_106] : memref<819200x128xf32, #tpu.memory_space<hbm>> -> memref<128x128xf32, #tpu.memory_space<hbm>>
    %dma_wait3A_108 = tpu.memref_slice %arg9[%dma_wait3A_100] : memref<5x!tpu.dma_semaphore, #tpu.memory_space<semaphore_mem>> -> memref<1x!tpu.dma_semaphore, #tpu.memory_space<semaphore_mem>>
    %dma_wait3A_109 = tpu.memref_squeeze %dma_wait3A_108 : memref<1x!tpu.dma_semaphore, #tpu.memory_space<semaphore_mem>> -> memref<!tpu.dma_semaphore, #tpu.memory_space<semaphore_mem>>
    %dma_wait3A_110 = arith.constant 0 : i32
    %dma_wait3A_111 = arith.constant 0 : i32
    %dma_wait3A_112 = tpu.memref_slice %arg4[%dma_wait3A_110, %dma_wait3A_111] : memref<819200x128xf32, #tpu.memory_space<hbm>> -> memref<128x128xf32, #tpu.memory_space<hbm>>
    %dma_wait3A_113 = arith.constant 0 : i32
    %dma_wait3A_114 = arith.constant 0 : i32
    %dma_wait3A_115 = tpu.memref_slice %arg6[%dma_wait3A_99, %dma_wait3A_113, %dma_wait3A_114] : memref<5x128x128xf32, #tpu.memory_space<vmem>> -> memref<1x128x128xf32, #tpu.memory_space<vmem>>
    %dma_wait3A_116 = tpu.memref_squeeze %dma_wait3A_115 : memref<1x128x128xf32, #tpu.memory_space<vmem>> -> memref<128x128xf32, #tpu.memory_space<vmem>>
    tpu.wait_dma2 semaphore(%dma_wait3A_109 : memref<!tpu.dma_semaphore, #tpu.memory_space<semaphore_mem>>) src(%dma_wait3A_116 : memref<128x128xf32, #tpu.memory_space<vmem>>) dst(%dma_wait3A_112 : memref<128x128xf32, #tpu.memory_space<hbm>>)
    %dma_wait3A_117 = arith.constant 4 : i32
    %dma_wait3A_118 = arith.constant 4 : i32
    %dma_wait3A_119 = arith.constant 0 : i32
    %dma_wait3A_120 = arith.constant 0 : i32
    %dma_wait3A_121 = tpu.memref_slice %arg6[%dma_wait3A_117, %dma_wait3A_119, %dma_wait3A_120] : memref<5x128x128xf32, #tpu.memory_space<vmem>> -> memref<1x128x128xf32, #tpu.memory_space<vmem>>
    %dma_wait3A_122 = tpu.memref_squeeze %dma_wait3A_121 : memref<1x128x128xf32, #tpu.memory_space<vmem>> -> memref<128x128xf32, #tpu.memory_space<vmem>>
    %dma_wait3A_123 = arith.constant 0 : i32
    %dma_wait3A_124 = arith.constant 0 : i32
    %dma_wait3A_125 = tpu.memref_slice %arg4[%dma_wait3A_123, %dma_wait3A_124] : memref<819200x128xf32, #tpu.memory_space<hbm>> -> memref<128x128xf32, #tpu.memory_space<hbm>>
    %dma_wait3A_126 = tpu.memref_slice %arg9[%dma_wait3A_118] : memref<5x!tpu.dma_semaphore, #tpu.memory_space<semaphore_mem>> -> memref<1x!tpu.dma_semaphore, #tpu.memory_space<semaphore_mem>>
    %dma_wait3A_127 = tpu.memref_squeeze %dma_wait3A_126 : memref<1x!tpu.dma_semaphore, #tpu.memory_space<semaphore_mem>> -> memref<!tpu.dma_semaphore, #tpu.memory_space<semaphore_mem>>
    %dma_wait3A_128 = arith.constant 0 : i32
    %dma_wait3A_129 = arith.constant 0 : i32
    %dma_wait3A_130 = tpu.memref_slice %arg4[%dma_wait3A_128, %dma_wait3A_129] : memref<819200x128xf32, #tpu.memory_space<hbm>> -> memref<128x128xf32, #tpu.memory_space<hbm>>
    %dma_wait3A_131 = arith.constant 0 : i32
    %dma_wait3A_132 = arith.constant 0 : i32
    %dma_wait3A_133 = tpu.memref_slice %arg6[%dma_wait3A_117, %dma_wait3A_131, %dma_wait3A_132] : memref<5x128x128xf32, #tpu.memory_space<vmem>> -> memref<1x128x128xf32, #tpu.memory_space<vmem>>
    %dma_wait3A_134 = tpu.memref_squeeze %dma_wait3A_133 : memref<1x128x128xf32, #tpu.memory_space<vmem>> -> memref<128x128xf32, #tpu.memory_space<vmem>>
    tpu.wait_dma2 semaphore(%dma_wait3A_127 : memref<!tpu.dma_semaphore, #tpu.memory_space<semaphore_mem>>) src(%dma_wait3A_134 : memref<128x128xf32, #tpu.memory_space<vmem>>) dst(%dma_wait3A_130 : memref<128x128xf32, #tpu.memory_space<hbm>>)
    return
  }
}

module attributes {stable_mosaic.version = 14 : i64} {
  func.func @_combine_body(%arg0: i32, %arg1: memref<10000x128xf32, #tpu.memory_space<vmem>>, %arg2: memref<10000x32xf32, #tpu.memory_space<vmem>>, %arg3: memref<10000x128xf32, #tpu.memory_space<vmem>>) attributes {dimension_semantics = [#tpu.dimension_semantics<arbitrary>], iteration_bounds = array<i64: 10>, scalar_prefetch = 0 : i64, scratch_operands = 0 : i64, tpu.core_type = #tpu.core_type<tc>, window_params = [{transform_indices = @transform_0, window_bounds = array<i64: 10000, 128>}, {transform_indices = @transform_1, window_bounds = array<i64: 10000, 32>}, {transform_indices = @transform_2, window_bounds = array<i64: 10000, 128>}]} {
    %get3A = arith.constant 0 : index
    %get3A_0 = arith.constant 0 : index
    %get3A_1 = vector.load %arg1[%get3A, %get3A_0] : memref<10000x128xf32, #tpu.memory_space<vmem>>, vector<10000x96xf32>
    %swap3A = arith.constant 0 : index
    %swap3A_2 = arith.constant 0 : index
    %swap3A_3 = vector.load %arg3[%swap3A, %swap3A_2] : memref<10000x128xf32, #tpu.memory_space<vmem>>, vector<10000x96xf32>
    tpu.vector_store %arg3[%swap3A, %swap3A_2], %get3A_1 {strides = array<i32>} : memref<10000x128xf32, #tpu.memory_space<vmem>>, vector<10000x96xf32>,
    %get3A_4 = arith.constant 0 : index
    %get3A_5 = arith.constant 0 : index
    %get3A_6 = vector.load %arg2[%get3A_4, %get3A_5] : memref<10000x32xf32, #tpu.memory_space<vmem>>, vector<10000x32xf32>
    %swap3A_7 = arith.constant 0 : index
    %swap3A_8 = arith.constant 96 : index
    %swap3A_9 = vector.load %arg3[%swap3A_7, %swap3A_8] : memref<10000x128xf32, #tpu.memory_space<vmem>>, vector<10000x32xf32>
    tpu.vector_store %arg3[%swap3A_7, %swap3A_8], %get3A_6 {strides = array<i32>} : memref<10000x128xf32, #tpu.memory_space<vmem>>, vector<10000x32xf32>,
    return
  }
  func.func @transform_0(%arg0: i32) -> (i32, i32) {
    %c0_i32 = arith.constant 0 : i32
    %c0_i32_0 = arith.constant 0 : i32
    return %arg0, %c0_i32 : i32, i32
  }
  func.func @transform_1(%arg0: i32) -> (i32, i32) {
    %c0_i32 = arith.constant 0 : i32
    %c0_i32_0 = arith.constant 0 : i32
    return %arg0, %c0_i32 : i32, i32
  }
  func.func @transform_2(%arg0: i32) -> (i32, i32) {
    %c0_i32 = arith.constant 0 : i32
    %c0_i32_0 = arith.constant 0 : i32
    return %arg0, %c0_i32 : i32, i32
  }
}

</mosaic_0001>

<sc_bundles>
// kernel: kernel.4.cloned.1.call-start
scs
__scs_entry_jumppad:
0x0: {  	(pc) =	sbr.rel $0x88, $3  }
0x1: {  	(tag) =	ssettag $0x0;
	lr =	simm.s32 $0x1  }
0x2: {  	[smem:$0x3F9E] =	sst lr;
	_ =	strace $0xD0000000  }
0x3: {  	_ = 	snop  }
0x4: {  	_ = 	snop  }
0x5: {  	_ = 	snop  }
0x6: {  	_ = 	snop  }
0x7: {  	_ = 	snop  }
__scs_overlays_trampoline_lowered:
0x8: {  	[smem:$0x3FAD] =	sst s0  }
0x9: {  	[smem:$0x3FAE] =	sst s1  }
0xa: {  	[smem:$0x3FAF] =	sst s2  }
0xb: {  	[smem:$0x3FB0] =	sst s3  }
0xc: {  	[smem:$0x3FB1] =	sst s4  }
0xd: {  	[smem:$0x3FB2] =	sst s5  }
0xe: {  	[smem:$0x3FB3] =	sst s6  }
0xf: {  	[smem:$0x3FB4] =	sst s7  }
0x10: {  	[smem:$0x3FB5] =	sst s8  }
0x11: {  	[smem:$0x3FB6] =	sst s9;
	s0 =	simm.s32 @!p0 $0x0  }
0x12: {  	s1 =	sld [smem:$0x3F9C];
	s0 =	simm.s32 @p0 $0x1  }
0x13: {  	[smem:$0x3FB7] =	sst s0;
	s0 =	simm.s32 @!p1 $0x0  }
0x14: {  	s2 =	sld [smem:$0x3F9B];
	s0 =	simm.s32 @p1 $0x1  }
0x15: {  	[smem:$0x3FB8] =	sst s0;
	s0 =	simm.s32 @!p2 $0x0  }
0x16: {  	s3 =	sld [smem:$0x3FDB];
	s0 =	simm.s32 @p2 $0x1  }
0x17: {  	s4 =	simm.s32 $0x1BF5;
	[smem:$0x3FBA] =	sst s0  }
0x18: {  	s0 =	sld [smem:$0x3F9D];
	_ =	swait.ge [sflag:s4], $0x0  }
0x19: {  	s7 =	sld [smem:$0x3F9E]  }
0x1a: {  	s8 =	sadd.s32 $0xFFFFE003, lr  }
0x1b: {  	s9 =	sadd.s32 $0xFFFFFEF7, lr;
	s5 =	simm.s32 $0xFFFFFFFF;
	p2 =	slt.u32 s8, $0xFFFFF086  }
0x1c: {  	p1 =	slt.u32 s9, $0xF7A;
	s5 =	simm.s32 @!p2 $0x0  }
0x1d: {  	s5 =	simm.s32 @p1 $0x1;
	p0 =	seq.s32 s7, s2  }
0x1e: {  	s7 =	smul.u32 @!p0 $0xF7A, s2;
	p2 =	seq.s32 @!p0 s5, $0x0  }
0x1f: {  	s9 =	smul.u32 $0xF7A, s1;
	s8 =	simm.s32 @!p0 $0x1BF5;
	p2 =	por !p2, p0  }
0x20: {  	[sflag:s8] =	ssyncset.s32 @!p0 $0xFFFFF086;
	s6 =	sadd.s32 @!p0 s3, s7;
	s7 =	simm.s32 @!p0 $0x108  }
0x21: {  	s3 =	sadd.s32 s3, s9;
	s6 =	sadd.s32 @!p0 $0x88, s6;
	s7 =	simm.s32 @p2 $0x1082  }
0x22: {  	[simem:s7], [sflag:s8] =	dma.local @!p0 [hbm:s6], $0xF7A  }
0x23: {  	s9 =	sor.u32 $0xD0000000, s2;
	s6 =	simm.s32 $0x108;
	_ =	swait.ge @!p0 [sflag:s8], $0x0  }
0x24: {  	s3 =	sadd.s32 $0x88, s3;
	s6 =	simm.s32 @!p1 $0x1082;
	[sflag:s4] =	ssyncset.s32 $0xFFFFF086  }
0x25: {  	[simem:s6], [sflag:s4] =	dma.local [hbm:s3], $0xF7A  }
0x26: {  	[smem:$0x3F9E] =	sst s1;
	(tag) =	ssettag s2;
	_ =	strace s9  }
0x27: {  	s1 =	sld [smem:$0x3FAE]  }
0x28: {  	s2 =	sld [smem:$0x3FAF]  }
0x29: {  	s4 =	sld [smem:$0x3FB1]  }
0x2a: {  	p0 =	seq.s32 s5, $0x0;
	s5 =	sld [smem:$0x3FB2]  }
0x2b: {  	s6 =	sld [smem:$0x3FB3]  }
0x2c: {  	s7 =	sld [smem:$0x3FB4]  }
0x2d: {  	s3 =	simm.s32 $0x108;
	s8 =	sld [smem:$0x3FB5]  }
0x2e: {  	s3 =	simm.s32 @!p0 $0x1082;
	s9 =	sld [smem:$0x3FB6]  }
0x2f: {  	lr =	sadd.s32 s0, s3;
	s0 =	sld [smem:$0x3FAD]  }
0x30: {  	s3 =	sld [smem:$0x3FB0]  }
0x31: {  	[smem:$0x3FB9] =	sst s10  }
0x32: {  	s10 =	sld [smem:$0x3FB7];
	_ =	sdelay $0x3  }
0x33: {  	p0 =	seq.s32 s10, $0x1;
	s10 =	sld [smem:$0x3FB9];
	_ =	sdelay $0x3  }
0x34: {  	[smem:$0x3FB9] =	sst s10  }
0x35: {  	s10 =	sld [smem:$0x3FB8];
	_ =	sdelay $0x3  }
0x36: {  	p1 =	seq.s32 s10, $0x1;
	s10 =	sld [smem:$0x3FB9];
	_ =	sdelay $0x3  }
0x37: {  	[smem:$0x3FB9] =	sst s10  }
0x38: {  	s10 =	sld [smem:$0x3FBA]  }
0x39: {  	_ = 	snop;
	(pc) =	sbr.ind lr, $3  }
0x3a: {  	_ = 	snop  }
0x3b: {  	_ = 	snop  }
0x3c: {  	p2 =	seq.s32 s10, $0x1;
	s10 =	sld [smem:$0x3FB9]  }
0x3d: {  	_ =	shalt  }
0x3e: {  	_ =	shalt  }
0x3f: {  	_ =	shalt  }
0x40: {  	_ =	shalt  }
0x41: {  	_ =	shalt  }
0x42: {  	_ =	shalt  }
0x43: {  	_ =	shalt  }
0x44: {  	_ =	shalt  }
0x45: {  	_ =	shalt  }
0x46: {  	_ =	shalt  }
0x47: {  	_ =	shalt  }
0x48: {  	_ =	shalt  }
0x49: {  	_ =	shalt  }
0x4a: {  	_ =	shalt  }
0x4b: {  	_ =	shalt  }
0x4c: {  	_ =	shalt  }
0x4d: {  	_ =	shalt  }
0x4e: {  	_ =	shalt  }
0x4f: {  	_ =	shalt  }
0x50: {  	_ =	shalt  }
0x51: {  	_ =	shalt  }
0x52: {  	_ =	shalt  }
0x53: {  	_ =	shalt  }
0x54: {  	_ =	shalt  }
0x55: {  	_ =	shalt  }
0x56: {  	_ =	shalt  }
0x57: {  	_ =	shalt  }
0x58: {  	_ =	shalt  }
0x59: {  	_ =	shalt  }
0x5a: {  	_ =	shalt  }
0x5b: {  	_ =	shalt  }
0x5c: {  	_ =	shalt  }
0x5d: {  	_ =	shalt  }
0x5e: {  	_ =	shalt  }
0x5f: {  	_ =	shalt  }
0x60: {  	_ =	shalt  }
0x61: {  	_ =	shalt  }
0x62: {  	_ =	shalt  }
0x63: {  	_ =	shalt  }
0x64: {  	_ =	shalt  }
0x65: {  	_ =	shalt  }
0x66: {  	_ =	shalt  }
0x67: {  	_ =	shalt  }
0x68: {  	_ =	shalt  }
0x69: {  	_ =	shalt  }
0x6a: {  	_ =	shalt  }
0x6b: {  	_ =	shalt  }
0x6c: {  	_ =	shalt  }
0x6d: {  	_ =	shalt  }
0x6e: {  	_ =	shalt  }
0x6f: {  	_ =	shalt  }
0x70: {  	_ =	shalt  }
0x71: {  	_ =	shalt  }
0x72: {  	_ =	shalt  }
0x73: {  	_ =	shalt  }
0x74: {  	_ =	shalt  }
0x75: {  	_ =	shalt  }
0x76: {  	_ =	shalt  }
0x77: {  	_ =	shalt  }
0x78: {  	_ =	shalt  }
0x79: {  	_ =	shalt  }
0x7a: {  	_ =	shalt  }
0x7b: {  	_ =	shalt  }
0x7c: {  	_ =	shalt  }
0x7d: {  	_ =	shalt  }
0x7e: {  	_ =	shalt  }
0x7f: {  	_ =	shalt  }
0x80: {  	_ =	shalt  }
0x81: {  	_ =	shalt  }
0x82: {  	_ =	shalt  }
0x83: {  	_ =	shalt  }
0x84: {  	_ =	shalt  }
0x85: {  	_ =	shalt  }
0x86: {  	_ =	shalt  }
0x87: {  	_ =	shalt  }
.Lfunc_end0:
.L_simem_size_0:
called_computation_lowered:
.L_overlay_start_0:
0x88: {  	s2 =	sld [smem:$0x3FD9]  }
0x89: {  	s3 =	sld [smem:$0x3FFE];
	_ =	sdelay $0x1  }
0x8a: {  	s1 =	srdreg.scid  }
0x8b: {  	s0 =	sand.u32 $0x1, s1  }
0x8c: {  	s17 =	sshll.u32 s0, $0xA;
	s2 =	sadd.s32 s3, s2  }
0x8d: {  	s2 =	sadd.s32 s2, s17  }
0x8e: {  	[smem:$0x3FC5] =	sst s2  }
0x8f: {  	_ = 	snop  }
0x90: {  	s2 =	sld [smem:$0x3FD0];
	(tm) =	ssettm $0x1  }
0x91: {  	s18 =	sld [smem:$0x3FFB];
	_ =	sdelay $0x3  }
0x92: {  	_ =	strace s18  }
0x93: {  	s3 =	sld [smem:$0x3FFC];
	_ =	sdelay $0x3  }
0x94: {  	_ =	strace s3  }
0x95: {  	s3 =	sld [smem:$0x3FFD];
	_ =	sdelay $0x3  }
0x96: {  	_ =	strace s3  }
0x97: {  	_ =	strace $0x8FFFFFFF  }
0x98: {  	s19 =	sld [smem:$0x3FDB];
	_ =	sdelay $0x1  }
0x99: {  	s4 =	simm.s32 $_scs_section_size  }
0x9a: {  	s5 =	simm.s32 $_size__tile_overlayer_lowered;
	s6 =	simm.s32 $_tile_overlayer_lowered  }
0x9b: {  	s22 =	simm.s32 $0x1BFF;
	s21 =	sshll.u32 s6, $0x1;
	s3 =	sadd.s32 s4, s19  }
0x9c: {  	s7 =	simm.s32 $0x0;
	s20 =	sshll.u32 s5, $0x1;
	s5 =	sadd.s32 s21, s3  }
0x9d: {  	[timem:s7], [sflag:s22] =	dma.local [hbm:s5], s20  }
0x9e: {  	_ =	swait.ge [sflag:s22], s20  }
0x9f: {  	s4 =	ssub.s32 $0x0, s20;
	[sflag:s22] =	ssyncset.done $0x0  }
0xa0: {  	[sflag:s22] =	ssyncadd.s32 s4;
	_ =	sdelay $0x1  }
0xa1: {  	s23 =	simm.s32 $0x1B8B  }
0xa2: {  	_ =	swait.ge [sflag:s23], $0x1  }
0xa3: {  	[sflag:s23] =	ssyncset.done $0x0  }
0xa4: {  	s25 =	simm.s32 $0x1B8E;
	s24 =	sld [smem:$0x3FFE];
	[sflag:s23] =	ssyncadd.s32 $0xFFFFFFFF  }
0xa5: {  	s26 =	simm.s32 $execute0_lowered;
	[smem:$0x3FD2] =	sst s25  }
0xa6: {  	s5 =	sshll.u32 s26, $0x1;
	_ =	strace $0x80000046;
	[dreg:$0x1] =	wrdreg $0xFFFFFFFF  }
0xa7: {  	s28 =	simm.s32 $_size_execute0_lowered;
	s3 =	sadd.s32 s3, s5;
	[dreg:$0x0] =	wrdreg $0x0  }
0xa8: {  	s5 =	sshll.u32 s28, $0x1;
	[dreg:$0x2] =	wrdreg s3  }
0xa9: {  	[dreg:$0x3] =	wrdreg s5  }
0xaa: {  	[dreg:$0x4] =	wrdreg $0xC0  }
0xab: {  	_ =	task [dreg:s7], $0x5FFFF  }
0xac: {  	[dreg:$0x1] =	wrdreg $0xFFFFFFFF  }
0xad: {  	[dreg:$0x0] =	wrdreg $0x60  }
0xae: {  	[dreg:$0x2] =	wrdreg s24  }
0xaf: {  	[dreg:$0x3] =	wrdreg s2  }
0xb0: {  	[dreg:$0x4] =	wrdreg $0x9  }
0xb1: {  	_ =	task.clear_ibuf [dreg:s7], $0x5FFFF;
	_ =	strace $0x90000046  }
0xb2: {  	s29 =	simm.s32 $0x9;
	_ =	strace $0x80000048  }
0xb3: {  	_ =	swait.ge [sflag:s29], $0x1  }
0xb4: {  	[sflag:s29] =	ssyncadd.s32 $0xFFFFFFFF  }
0xb5: {  	_ =	strace $0x90000048  }
0xb6: {  	_ =	sfence  }
0xb7: {  	s30 =	sld [smem:$0x0];
	_ =	sdelay $0x2  }
0xb8: {  	s31 =	sshll.u32 s1, $0xD;
	s1 =	sshrl.u32 s1, $0x2  }
0xb9: {  	s3 =	sand.u32 $0x4000, s31;
	s1 =	sadd.s32 s1, s30  }
0xba: {  	s0 =	sor.u32 s3, s0;
	s1 =	sshll.u32 s1, $0x11  }
0xbb: {  	s0 =	sor.u32 s1, s0  }
0xbc: {  	s0 =	sadd.s32 $0x8F2B, s0  }
0xbd: {  	[sflag:s0] =	ssyncadd.remote.s32 $0x1  }
0xbe: {  	_ =	sfence.sel $0xFFFF  }
0xbf: {  	[dreg:$0x0] =	wrdreg $0xFFFFFFFF;
	(pc) =	sbr.abs _section_cstart, $3  }
0xc0: {  	[dreg:$0x1] =	wrdreg $0xFFFFFFFF  }
0xc1: {  	_ =	task.clear_ibuf [dreg:s7], $0x2FFFF;
	_ =	strace $0x9FFFFFFF  }
0xc2: {  	(tm) =	ssettm $0x7FFFFFFF  }
0xc3: {  	_ =	shalt  }
tec
execute0_lowered:
.L_overlay_start_1:
0x0: {  	(tag) =	ssettag $0x1  }
0x1: {  	s1 =	srdreg.scid;
	s4 =	rddreg [dreg:$0x0]  }
0x2: {  	s0 =	stileid.u32;
	s6 =	rddreg [dreg:$0x1];
	s24 =	simm.s32 $0x100  }
0x3: {  	s25 =	simm.s32 $0x180;
	s14 =	simm.s32 $0xC800;
	s8 =	smul.u32 $0xC8000, s0  }
0x4: {  	s26 =	simm.s32 $0x200;
	s15 =	simm.s32 $0x10800;
	s10 =	smul.u32 $0x50, s0  }
0x5: {  	s16 =	simm.s32 $0x2;
	s1 =	sand.u32 $0x1, s1;
	s12 =	smul.u32 $0x190, s0  }
0x6: {  	s28 =	simm.s32 $0x480;
	s29 =	simm.s32 $0x500;
	s17 =	smul.u32 $0xC8, s1  }
0x7: {  	s30 =	simm.s32 $0x580;
	s2 =	sshll.u32 s0, $0x1;
	s13 =	smul.u32 $0x28, s1  }
0x8: {  	s3 =	sor.u32 s1, s2;
	s9 =	ssub.s32 $0x2, s1;
	s1 =	smul.u32 $0x64000, s1  }
0x9: {  	s31 =	simm.s32 $0x600;
	s2 =	simm.s32 $0x0;
	s7 =	smul.u32 $0x28, s3  }
0xa: {  	s5 =	smul.u32 $0x1400, s3;
	[smem:$0x7FF] =	sst s2;
	s3 =	sadd.s32 $0x400, s4  }
0xb: {  	s11 =	sshrl.u32 s9, $0x1;
	_ =	strace $0x80000047;
	[dreg:$0x6] =	wrdreg s24  }
0xc: {  	s4 =	sadd.s32 $0x28400, s4;
	s8 =	sadd.s32 s8, s6;
	[dreg:$0x7] =	wrdreg s25  }
0xd: {  	s9 =	ssub.s32 s9, s11;
	s19 =	sadd.s32 s17, s12;
	[dreg:$0x8] =	wrdreg s26  }
0xe: {  	s10 =	sadd.s32 s13, s10;
	s1 =	sadd.s32 s1, s8;
	[dreg:$0x9] =	wrdreg s28  }
0xf: {  	s8 =	simm.s32 $0x1;
	s11 =	simm.s32 $0x800;
	[dreg:$0xa] =	wrdreg s29  }
0x10: {  	s12 =	simm.s32 $0x4800;
	s13 =	simm.s32 $0x8800;
	[dreg:$0xb] =	wrdreg s30  }
0x11: {  	s17 =	simm.s32 $0x3;
	s24 =	simm.s32 $0xA;
	[dreg:$0xc] =	wrdreg s31  }
0x12: {  	s25 =	simm.s32 $0xB;
	s26 =	simm.s32 $0x0;
	s18 =	sadd.s32 s3, s5  }
0x13: {  	s7 =	sor.u32 $0x2, s7;
	s20 =	sshll.u32 s10, $0x7;
	[dreg:$0x4] =	wrdreg s1  }
0x14: {  	s23 =	smax.u32 s9, $0x1;
	s9 =	simm.s32 $0x400;
	[dreg:$0xd] =	wrdreg s18  }
0x15: {  	s10 =	simm.s32 $0x80;
	[dreg:$0x3] =	wrdreg s7;
	s7 =	sshll.u32 s19, $0xB  }
0x16: {  	s21 =	sadd.s32 s20, s3;
	[dreg:$0xe] =	wrdreg s23;
	s18 =	simm.s32 $0x4  }
0x17: {  	s19 =	simm.s32 $0x5;
	s20 =	simm.s32 $0x6;
	s6 =	sadd.s32 s7, s6  }
0x18: {  	s23 =	simm.s32 $0x9;
	s7 =	sadd.s32 $0x80, s21;
	s22 =	sadd.s32 $0x2800, s6  }
0x19: {  	s21 =	simm.s32 $0x7;
	[dreg:$0x5] =	wrdreg s22;
	s22 =	simm.s32 $0x8  }
.LBB2_1:
0x1a: {  	s0 =	rddreg [dreg:$0xd]  }
0x1b: {  	[tilespmem:s2], [sflag:$0x1] =	stream.linear.gather [hbm4b:s0+s2], $0x280, $0x38;
	[tilespmem:$0x14800] =	vst v63  }
0x1c: {  	_ =	swait.ge [sflag:s8], $0x280  }
0x1d: {  	p0 =	por $0x1, $0x1;
	[sflag:s8] =	ssyncset.done $0x0  }
0x1e: {  	s1 =	simm.s32 @!p0 $0x7;
	[sflag:s8] =	ssyncadd.s32 $0xFFFFFD80  }
0x1f: {  	[tilespmem:s9], [sflag:$0x1] =	stream.linear.gather [hbm4b:s7+s2], $0x280, $0x38;
	[tilespmem:$0x14800] =	vst v63  }
0x20: {  	_ =	swait.ge @!p0 [sflag:s1], $0x4000  }
0x21: {  	[sflag:s1] =	ssyncset.done @!p0 $0x0  }
0x22: {  	s28 =	simm.s32 @!p0 $0x8;
	[sflag:s1] =	ssyncadd.s32 @!p0 $0xFFFFC000  }
0x23: {  	_ =	swait.ge @!p0 [sflag:s28], $0x4000  }
0x24: {  	[sflag:s28] =	ssyncset.done @!p0 $0x0  }
0x25: {  	s1 =	simm.s32 @!p0 $0x9;
	[sflag:s28] =	ssyncadd.s32 @!p0 $0xFFFFC000  }
0x26: {  	_ =	swait.ge @!p0 [sflag:s1], $0x4000  }
0x27: {  	[sflag:s1] =	ssyncset.done @!p0 $0x0  }
0x28: {  	s28 =	simm.s32 @!p0 $0xA;
	[sflag:s1] =	ssyncadd.s32 @!p0 $0xFFFFC000  }
0x29: {  	_ =	swait.ge @!p0 [sflag:s28], $0x4000  }
0x2a: {  	[sflag:s28] =	ssyncset.done @!p0 $0x0  }
0x2b: {  	s1 =	simm.s32 @!p0 $0xB;
	[sflag:s28] =	ssyncadd.s32 @!p0 $0xFFFFC000  }
0x2c: {  	_ =	swait.ge @!p0 [sflag:s1], $0x4000  }
0x2d: {  	[sflag:s1] =	ssyncset.done @!p0 $0x0  }
0x2e: {  	[sflag:s1] =	ssyncadd.s32 @!p0 $0xFFFFC000  }
0x2f: {  	[tilespmem:s11], [sflag:$0x2] =	stream.indirect.gather [hbm4b:s4+s10], $0x80, s2, s10, $0xb8;
	[tilespmem:$0x14800] =	vst v63  }
0x30: {  	_ = 	snop  }
0x31: {  	[tilespmem:s12], [sflag:$0x3] =	stream.indirect.gather [hbm4b:s4+s10], $0x80, s10, s10, $0xb8;
	[tilespmem:$0x14800] =	vst v63  }
0x32: {  	s5 =	rddreg [dreg:$0x6]  }
0x33: {  	[tilespmem:s13], [sflag:$0x4] =	stream.indirect.gather [hbm4b:s4+s10], $0x80, s5, s10, $0xb8;
	[tilespmem:$0x14800] =	vst v63  }
0x34: {  	s28 =	rddreg [dreg:$0x7]  }
0x35: {  	[tilespmem:s14], [sflag:$0x5] =	stream.indirect.gather [hbm4b:s4+s10], $0x80, s28, s10, $0xb8;
	[tilespmem:$0x14800] =	vst v63  }
0x36: {  	s6 =	rddreg [dreg:$0x8]  }
0x37: {  	[tilespmem:s15], [sflag:$0x6] =	stream.indirect.gather [hbm4b:s4+s10], $0x80, s6, s10, $0xb8;
	[tilespmem:$0x14800] =	vst v63  }
0x38: {  	_ =	swait.ge [sflag:s16], $0x4000  }
0x39: {  	s31 =	rddreg [dreg:$0x4];
	[sflag:s16] =	ssyncset.done $0x0  }
0x3a: {  	[sflag:s16] =	ssyncadd.s32 $0xFFFFC000;
	s1 =	sadd.s32 $0x0, s31  }
0x3b: {  	[hbm4b:s1+s2] =	stream.linear.scatter [tilespmem:s11], [sflag:$0x7], $0x4000, $0x38;
	[tilespmem:$0x14800] =	vst v63  }
0x3c: {  	_ =	swait.ge [sflag:s17], $0x4000  }
0x3d: {  	[sflag:s17] =	ssyncset.done $0x0  }
0x3e: {  	s28 =	sadd.s32 $0x800, s1;
	[sflag:s17] =	ssyncadd.s32 $0xFFFFC000  }
0x3f: {  	[hbm4b:s28+s2] =	stream.linear.scatter [tilespmem:s12], [sflag:$0x8], $0x4000, $0x38;
	[tilespmem:$0x14800] =	vst v63  }
0x40: {  	_ =	swait.ge [sflag:s18], $0x4000  }
0x41: {  	[sflag:s18] =	ssyncset.done $0x0  }
0x42: {  	s28 =	sadd.s32 $0x1000, s1;
	[sflag:s18] =	ssyncadd.s32 $0xFFFFC000  }
0x43: {  	[hbm4b:s28+s2] =	stream.linear.scatter [tilespmem:s13], [sflag:$0x9], $0x4000, $0x38;
	[tilespmem:$0x14800] =	vst v63  }
0x44: {  	_ =	swait.ge [sflag:s19], $0x4000  }
0x45: {  	[sflag:s19] =	ssyncset.done $0x0  }
0x46: {  	s28 =	sadd.s32 $0x1800, s1;
	[sflag:s19] =	ssyncadd.s32 $0xFFFFC000  }
0x47: {  	[hbm4b:s28+s2] =	stream.linear.scatter [tilespmem:s14], [sflag:$0xA], $0x4000, $0x38;
	[tilespmem:$0x14800] =	vst v63  }
0x48: {  	_ =	swait.ge [sflag:s20], $0x4000  }
0x49: {  	[sflag:s20] =	ssyncset.done $0x0  }
0x4a: {  	s28 =	sadd.s32 $0x2000, s1;
	[sflag:s20] =	ssyncadd.s32 $0xFFFFC000  }
0x4b: {  	[hbm4b:s28+s2] =	stream.linear.scatter [tilespmem:s15], [sflag:$0xB], $0x4000, $0x38;
	[tilespmem:$0x14800] =	vst v63  }
0x4c: {  	_ =	swait.ge [sflag:s8], $0x280  }
0x4d: {  	s29 =	smin.u32 s2, $0x25;
	s28 =	rddreg [dreg:$0x3]  }
0x4e: {  	s28 =	sadd.s32 s29, s28  }
0x4f: {  	[sflag:s8] =	ssyncset.done $0x0;
	s28 =	sshll.u32 s28, $0x7  }
0x50: {  	[sflag:s8] =	ssyncadd.s32 $0xFFFFFD80;
	s28 =	sadd.s32 s3, s28  }
0x51: {  	[tilespmem:s2], [sflag:$0x1] =	stream.linear.gather [hbm4b:s28+s2], $0x280, $0x38;
	[tilespmem:$0x14800] =	vst v63  }
0x52: {  	_ =	swait.ge [sflag:s21], $0x4000  }
0x53: {  	[sflag:s21] =	ssyncset.done $0x0  }
0x54: {  	[sflag:s21] =	ssyncadd.s32 $0xFFFFC000  }
0x55: {  	_ =	swait.ge [sflag:s22], $0x4000  }
0x56: {  	[sflag:s22] =	ssyncset.done $0x0  }
0x57: {  	[sflag:s22] =	ssyncadd.s32 $0xFFFFC000  }
0x58: {  	_ =	swait.ge [sflag:s23], $0x4000  }
0x59: {  	[sflag:s23] =	ssyncset.done $0x0  }
0x5a: {  	[sflag:s23] =	ssyncadd.s32 $0xFFFFC000  }
0x5b: {  	_ =	swait.ge [sflag:s24], $0x4000  }
0x5c: {  	[sflag:s24] =	ssyncset.done $0x0  }
0x5d: {  	[sflag:s24] =	ssyncadd.s32 $0xFFFFC000  }
0x5e: {  	_ =	swait.ge [sflag:s25], $0x4000  }
0x5f: {  	[sflag:s25] =	ssyncset.done $0x0  }
0x60: {  	[sflag:s25] =	ssyncadd.s32 $0xFFFFC000  }
0x61: {  	[tilespmem:s11], [sflag:$0x2] =	stream.indirect.gather [hbm4b:s4+s10], $0x80, s9, s10, $0xb8;
	[tilespmem:$0x14800] =	vst v63  }
0x62: {  	s28 =	rddreg [dreg:$0x9]  }
0x63: {  	[tilespmem:s12], [sflag:$0x3] =	stream.indirect.gather [hbm4b:s4+s10], $0x80, s28, s10, $0xb8;
	[tilespmem:$0x14800] =	vst v63  }
0x64: {  	s29 =	rddreg [dreg:$0xa]  }
0x65: {  	[tilespmem:s13], [sflag:$0x4] =	stream.indirect.gather [hbm4b:s4+s10], $0x80, s29, s10, $0xb8;
	[tilespmem:$0x14800] =	vst v63  }
0x66: {  	s28 =	rddreg [dreg:$0xb]  }
0x67: {  	[tilespmem:s14], [sflag:$0x5] =	stream.indirect.gather [hbm4b:s4+s10], $0x80, s28, s10, $0xb8;
	[tilespmem:$0x14800] =	vst v63  }
0x68: {  	s29 =	rddreg [dreg:$0xc]  }
0x69: {  	[tilespmem:s15], [sflag:$0x6] =	stream.indirect.gather [hbm4b:s4+s10], $0x80, s29, s10, $0xb8;
	[tilespmem:$0x14800] =	vst v63  }
0x6a: {  	_ =	swait.ge [sflag:s16], $0x4000  }
0x6b: {  	s28 =	rddreg [dreg:$0x5];
	[sflag:s16] =	ssyncset.done $0x0  }
0x6c: {  	[sflag:s16] =	ssyncadd.s32 $0xFFFFC000;
	s28 =	sadd.s32 $0x0, s28  }
0x6d: {  	[hbm4b:s28+s2] =	stream.linear.scatter [tilespmem:s11], [sflag:$0x7], $0x4000, $0x38;
	[tilespmem:$0x14800] =	vst v63  }
0x6e: {  	_ =	swait.ge [sflag:s17], $0x4000  }
0x6f: {  	[sflag:s17] =	ssyncset.done $0x0  }
0x70: {  	s28 =	sadd.s32 $0x3000, s1;
	[sflag:s17] =	ssyncadd.s32 $0xFFFFC000  }
0x71: {  	[hbm4b:s28+s2] =	stream.linear.scatter [tilespmem:s12], [sflag:$0x8], $0x4000, $0x38;
	[tilespmem:$0x14800] =	vst v63  }
0x72: {  	_ =	swait.ge [sflag:s18], $0x4000  }
0x73: {  	[sflag:s18] =	ssyncset.done $0x0  }
0x74: {  	s28 =	sadd.s32 $0x3800, s1;
	[sflag:s18] =	ssyncadd.s32 $0xFFFFC000  }
0x75: {  	[hbm4b:s28+s2] =	stream.linear.scatter [tilespmem:s13], [sflag:$0x9], $0x4000, $0x38;
	[tilespmem:$0x14800] =	vst v63  }
0x76: {  	_ =	swait.ge [sflag:s19], $0x4000  }
0x77: {  	[sflag:s19] =	ssyncset.done $0x0  }
0x78: {  	s28 =	sadd.s32 $0x4000, s1;
	[sflag:s19] =	ssyncadd.s32 $0xFFFFC000  }
0x79: {  	[hbm4b:s28+s2] =	stream.linear.scatter [tilespmem:s14], [sflag:$0xA], $0x4000, $0x38;
	[tilespmem:$0x14800] =	vst v63  }
0x7a: {  	s30 =	simm.s32 $0x0;
	s29 =	sadd.s32 $0x100, s7;
	_ =	swait.ge [sflag:s20], $0x4000  }
0x7b: {  	s1 =	sadd.s32 $0x4800, s1;
	s28 =	simm.s32 $0x5000;
	[sflag:s20] =	ssyncset.done $0x0  }
.LBB2_2:
0x7c: {  	[sflag:s20] =	ssyncadd.s32 $0xFFFFC000  }
0x7d: {  	[hbm4b:s1+s2] =	stream.linear.scatter [tilespmem:s15], [sflag:$0xB], $0x4000, $0x38;
	[tilespmem:$0x14800] =	vst v63  }
0x7e: {  	s31 =	smov.u32 s28;
	_ =	swait.ge [sflag:s8], $0x280  }
0x7f: {  	p1 =	seq.s32 s31, $0x0;
	[sflag:s8] =	ssyncset.done $0x0  }
0x80: {  	s1 =	simm.s32 @!p1 $0x7;
	[sflag:s8] =	ssyncadd.s32 $0xFFFFFD80  }
0x81: {  	[tilespmem:s9], [sflag:$0x1] =	stream.linear.gather [hbm4b:s29+s2], $0x280, $0x38;
	[tilespmem:$0x14800] =	vst v63  }
0x82: {  	_ =	swait.ge @!p1 [sflag:s1], $0x4000  }
0x83: {  	[sflag:s1] =	ssyncset.done @!p1 $0x0  }
0x84: {  	s0 =	simm.s32 @!p1 $0x8;
	[sflag:s1] =	ssyncadd.s32 @!p1 $0xFFFFC000  }
0x85: {  	_ =	swait.ge @!p1 [sflag:s0], $0x4000  }
0x86: {  	[sflag:s0] =	ssyncset.done @!p1 $0x0  }
0x87: {  	s1 =	simm.s32 @!p1 $0x9;
	[sflag:s0] =	ssyncadd.s32 @!p1 $0xFFFFC000  }
0x88: {  	_ =	swait.ge @!p1 [sflag:s1], $0x4000  }
0x89: {  	[sflag:s1] =	ssyncset.done @!p1 $0x0  }
0x8a: {  	s0 =	simm.s32 @!p1 $0xA;
	[sflag:s1] =	ssyncadd.s32 @!p1 $0xFFFFC000  }
0x8b: {  	_ =	swait.ge @!p1 [sflag:s0], $0x4000  }
0x8c: {  	[sflag:s0] =	ssyncset.done @!p1 $0x0  }
0x8d: {  	s1 =	simm.s32 @!p1 $0xB;
	[sflag:s0] =	ssyncadd.s32 @!p1 $0xFFFFC000  }
0x8e: {  	_ =	swait.ge @!p1 [sflag:s1], $0x4000  }
0x8f: {  	[sflag:s1] =	ssyncset.done @!p1 $0x0  }
0x90: {  	[sflag:s1] =	ssyncadd.s32 @!p1 $0xFFFFC000  }
0x91: {  	[tilespmem:s11], [sflag:$0x2] =	stream.indirect.gather [hbm4b:s4+s10], $0x80, s2, s10, $0xb8;
	[tilespmem:$0x14800] =	vst v63  }
0x92: {  	_ = 	snop  }
0x93: {  	[tilespmem:s12], [sflag:$0x3] =	stream.indirect.gather [hbm4b:s4+s10], $0x80, s10, s10, $0xb8;
	[tilespmem:$0x14800] =	vst v63  }
0x94: {  	s1 =	rddreg [dreg:$0x6]  }
0x95: {  	[tilespmem:s13], [sflag:$0x4] =	stream.indirect.gather [hbm4b:s4+s10], $0x80, s1, s10, $0xb8;
	[tilespmem:$0x14800] =	vst v63  }
0x96: {  	s6 =	rddreg [dreg:$0x7]  }
0x97: {  	[tilespmem:s14], [sflag:$0x5] =	stream.indirect.gather [hbm4b:s4+s10], $0x80, s6, s10, $0xb8;
	[tilespmem:$0x14800] =	vst v63  }
0x98: {  	s5 =	rddreg [dreg:$0x8]  }
0x99: {  	[tilespmem:s15], [sflag:$0x6] =	stream.indirect.gather [hbm4b:s4+s10], $0x80, s5, s10, $0xb8;
	[tilespmem:$0x14800] =	vst v63  }
0x9a: {  	_ =	swait.ge [sflag:s16], $0x4000  }
0x9b: {  	s5 =	rddreg [dreg:$0x4];
	[sflag:s16] =	ssyncset.done $0x0  }
0x9c: {  	[sflag:s16] =	ssyncadd.s32 $0xFFFFC000;
	s1 =	sadd.s32 s31, s5  }
0x9d: {  	[hbm4b:s1+s2] =	stream.linear.scatter [tilespmem:s11], [sflag:$0x7], $0x4000, $0x38;
	[tilespmem:$0x14800] =	vst v63  }
0x9e: {  	_ =	swait.ge [sflag:s17], $0x4000  }
0x9f: {  	[sflag:s17] =	ssyncset.done $0x0  }
0xa0: {  	s0 =	sadd.s32 $0x800, s1;
	[sflag:s17] =	ssyncadd.s32 $0xFFFFC000  }
0xa1: {  	[hbm4b:s0+s2] =	stream.linear.scatter [tilespmem:s12], [sflag:$0x8], $0x4000, $0x38;
	[tilespmem:$0x14800] =	vst v63  }
0xa2: {  	_ =	swait.ge [sflag:s18], $0x4000  }
0xa3: {  	[sflag:s18] =	ssyncset.done $0x0  }
0xa4: {  	s6 =	sadd.s32 $0x1000, s1;
	[sflag:s18] =	ssyncadd.s32 $0xFFFFC000  }
0xa5: {  	[hbm4b:s6+s2] =	stream.linear.scatter [tilespmem:s13], [sflag:$0x9], $0x4000, $0x38;
	[tilespmem:$0x14800] =	vst v63  }
0xa6: {  	_ =	swait.ge [sflag:s19], $0x4000  }
0xa7: {  	[sflag:s19] =	ssyncset.done $0x0  }
0xa8: {  	s5 =	sadd.s32 $0x1800, s1;
	[sflag:s19] =	ssyncadd.s32 $0xFFFFC000  }
0xa9: {  	[hbm4b:s5+s2] =	stream.linear.scatter [tilespmem:s14], [sflag:$0xA], $0x4000, $0x38;
	[tilespmem:$0x14800] =	vst v63  }
0xaa: {  	_ =	swait.ge [sflag:s20], $0x4000  }
0xab: {  	[sflag:s20] =	ssyncset.done $0x0  }
0xac: {  	s6 =	sadd.s32 $0x2000, s1;
	[sflag:s20] =	ssyncadd.s32 $0xFFFFC000  }
0xad: {  	[hbm4b:s6+s2] =	stream.linear.scatter [tilespmem:s15], [sflag:$0xB], $0x4000, $0x38;
	[tilespmem:$0x14800] =	vst v63  }
0xae: {  	s30 =	sadd.s32 $0x2, s30;
	_ =	swait.ge [sflag:s8], $0x280  }
0xaf: {  	s6 =	smin.u32 s30, $0x25;
	s5 =	rddreg [dreg:$0x3]  }
0xb0: {  	s0 =	sadd.s32 s6, s5  }
0xb1: {  	[sflag:s8] =	ssyncset.done $0x0;
	s0 =	sshll.u32 s0, $0x7  }
0xb2: {  	[sflag:s8] =	ssyncadd.s32 $0xFFFFFD80;
	s0 =	sadd.s32 s3, s0  }
0xb3: {  	[tilespmem:s2], [sflag:$0x1] =	stream.linear.gather [hbm4b:s0+s2], $0x280, $0x38;
	[tilespmem:$0x14800] =	vst v63  }
0xb4: {  	_ =	swait.ge [sflag:s21], $0x4000  }
0xb5: {  	[sflag:s21] =	ssyncset.done $0x0  }
0xb6: {  	[sflag:s21] =	ssyncadd.s32 $0xFFFFC000  }
0xb7: {  	_ =	swait.ge [sflag:s22], $0x4000  }
0xb8: {  	[sflag:s22] =	ssyncset.done $0x0  }
0xb9: {  	[sflag:s22] =	ssyncadd.s32 $0xFFFFC000  }
0xba: {  	_ =	swait.ge [sflag:s23], $0x4000  }
0xbb: {  	[sflag:s23] =	ssyncset.done $0x0  }
0xbc: {  	[sflag:s23] =	ssyncadd.s32 $0xFFFFC000  }
0xbd: {  	_ =	swait.ge [sflag:s24], $0x4000  }
0xbe: {  	[sflag:s24] =	ssyncset.done $0x0  }
0xbf: {  	[sflag:s24] =	ssyncadd.s32 $0xFFFFC000  }
0xc0: {  	_ =	swait.ge [sflag:s25], $0x4000  }
0xc1: {  	[sflag:s25] =	ssyncset.done $0x0  }
0xc2: {  	[sflag:s25] =	ssyncadd.s32 $0xFFFFC000  }
0xc3: {  	[tilespmem:s11], [sflag:$0x2] =	stream.indirect.gather [hbm4b:s4+s10], $0x80, s9, s10, $0xb8;
	[tilespmem:$0x14800] =	vst v63  }
0xc4: {  	s0 =	rddreg [dreg:$0x9]  }
0xc5: {  	[tilespmem:s12], [sflag:$0x3] =	stream.indirect.gather [hbm4b:s4+s10], $0x80, s0, s10, $0xb8;
	[tilespmem:$0x14800] =	vst v63  }
0xc6: {  	s5 =	rddreg [dreg:$0xa]  }
0xc7: {  	[tilespmem:s13], [sflag:$0x4] =	stream.indirect.gather [hbm4b:s4+s10], $0x80, s5, s10, $0xb8;
	[tilespmem:$0x14800] =	vst v63  }
0xc8: {  	s6 =	rddreg [dreg:$0xb]  }
0xc9: {  	[tilespmem:s14], [sflag:$0x5] =	stream.indirect.gather [hbm4b:s4+s10], $0x80, s6, s10, $0xb8;
	[tilespmem:$0x14800] =	vst v63  }
0xca: {  	s0 =	rddreg [dreg:$0xc]  }
0xcb: {  	[tilespmem:s15], [sflag:$0x6] =	stream.indirect.gather [hbm4b:s4+s10], $0x80, s0, s10, $0xb8;
	[tilespmem:$0x14800] =	vst v63  }
0xcc: {  	_ =	swait.ge [sflag:s16], $0x4000  }
0xcd: {  	s6 =	rddreg [dreg:$0x5];
	[sflag:s16] =	ssyncset.done $0x0  }
0xce: {  	[sflag:s16] =	ssyncadd.s32 $0xFFFFC000;
	s0 =	sadd.s32 s31, s6  }
0xcf: {  	[hbm4b:s0+s2] =	stream.linear.scatter [tilespmem:s11], [sflag:$0x7], $0x4000, $0x38;
	[tilespmem:$0x14800] =	vst v63  }
0xd0: {  	_ =	swait.ge [sflag:s17], $0x4000  }
0xd1: {  	[sflag:s17] =	ssyncset.done $0x0  }
0xd2: {  	s5 =	sadd.s32 $0x3000, s1;
	[sflag:s17] =	ssyncadd.s32 $0xFFFFC000  }
0xd3: {  	[hbm4b:s5+s2] =	stream.linear.scatter [tilespmem:s12], [sflag:$0x8], $0x4000, $0x38;
	[tilespmem:$0x14800] =	vst v63  }
0xd4: {  	_ =	swait.ge [sflag:s18], $0x4000  }
0xd5: {  	[sflag:s18] =	ssyncset.done $0x0  }
0xd6: {  	s28 =	sadd.s32 $0x5000, s28;
	s6 =	sadd.s32 $0x3800, s1;
	[sflag:s18] =	ssyncadd.s32 $0xFFFFC000  }
0xd7: {  	[hbm4b:s6+s2] =	stream.linear.scatter [tilespmem:s13], [sflag:$0x9], $0x4000, $0x38;
	[tilespmem:$0x14800] =	vst v63  }
0xd8: {  	p0 =	sne.s32 s28, $0x64000;
	_ =	swait.ge [sflag:s19], $0x4000  }
.Ltmp0:
0xd9: {  	[sflag:s19] =	ssyncset.done $0x0;
	(pc) =	sbr.rel @p0 .LBB2_2-.Ltmp0, $4  }
0xda: {  	s31 =	sadd.s32 $0x4000, s1;
	[sflag:s19] =	ssyncadd.s32 $0xFFFFC000  }
0xdb: {  	[hbm4b:s31+s2] =	stream.linear.scatter [tilespmem:s14], [sflag:$0xA], $0x4000, $0x38;
	[tilespmem:$0x14800] =	vst v63  }
0xdc: {  	_ =	swait.ge [sflag:s20], $0x4000  }
0xdd: {  	s29 =	sadd.s32 $0x100, s29;
	s1 =	sadd.s32 $0x4800, s1;
	[sflag:s20] =	ssyncset.done $0x0  }
0xde: {  	[sflag:s20] =	ssyncadd.s32 $0xFFFFC000  }
0xdf: {  	[hbm4b:s1+s2] =	stream.linear.scatter [tilespmem:s15], [sflag:$0xB], $0x4000, $0x38;
	[tilespmem:$0x14800] =	vst v63  }
0xe0: {  	_ =	swait.ge [sflag:s8], $0x280  }
0xe1: {  	[sflag:s8] =	ssyncset.done $0x0  }
0xe2: {  	[sflag:s8] =	ssyncadd.s32 $0xFFFFFD80  }
0xe3: {  	_ =	swait.ge [sflag:s21], $0x4000  }
0xe4: {  	[sflag:s21] =	ssyncset.done $0x0  }
0xe5: {  	[sflag:s21] =	ssyncadd.s32 $0xFFFFC000  }
0xe6: {  	_ =	swait.ge [sflag:s22], $0x4000  }
0xe7: {  	[sflag:s22] =	ssyncset.done $0x0  }
0xe8: {  	[sflag:s22] =	ssyncadd.s32 $0xFFFFC000  }
0xe9: {  	_ =	swait.ge [sflag:s23], $0x4000  }
0xea: {  	[sflag:s23] =	ssyncset.done $0x0  }
0xeb: {  	[sflag:s23] =	ssyncadd.s32 $0xFFFFC000  }
0xec: {  	_ =	swait.ge [sflag:s24], $0x4000  }
0xed: {  	[sflag:s24] =	ssyncset.done $0x0  }
0xee: {  	[sflag:s24] =	ssyncadd.s32 $0xFFFFC000  }
0xef: {  	_ =	swait.ge [sflag:s25], $0x4000  }
0xf0: {  	s26 =	sadd.s32 $0x1, s26;
	s0 =	rddreg [dreg:$0xe]  }
0xf1: {  	p0 =	sne.s32 s26, s0  }
.Ltmp1:
0xf2: {  	_ = 	snop;
	(pc) =	sbr.rel @p0 .LBB2_1-.Ltmp1, $3  }
0xf3: {  	_ =	sdelay $0x1  }
0xf4: {  	[sflag:s25] =	ssyncset.done $0x0  }
0xf5: {  	[sflag:s25] =	ssyncadd.s32 $0xFFFFC000  }
0xf6: {  	_ =	sfence.sel $0x180000  }
0xf7: {  	[bflag:$0x0] =	sbarrier.arrive $0xFFFF  }
0xf8: {  	_ =	strace $0x90000047  }
0xf9: {  	s0 =	stileid.u32;
	[bflag:$0x2] =	sbarrier.arrive $0xFFFF  }
0xfa: {  	p0 =	sne.s32 s0, $0x0;
	s0 =	rddreg [dreg:$0x2]  }
0xfb: {  	s0 =	sadd.s32 @!p0 $0x100000, s0  }
0xfc: {  	[sflag:s0] =	ssyncadd.tile.s32 @!p0 $0x1;
	_ =	shalt  }
.Lfunc_end2:
_tile_overlayer_lowered:
.L_overlay_start_2:
0xfd: {  	(tag) =	ssettag $0x2  }
0xfe: {  	s0 =	rddreg [dreg:$0x0];
	s2 =	stileid.u32  }
0xff: {  	s1 =	rddreg [dreg:$0x1];
	p0 =	sne.s32 s2, $0x0  }
0x100: {  	s3 =	rddreg [dreg:$0x2];
	[bflag:$0x3] =	sbarrier.arrive $0xFFFF;
	s2 =	simm.s32 @!p0 $0x1C0C  }
0x101: {  	[timem:s3], [sflag:s2] =	dma.local @!p0 [hbm:s0], s1  }
0x102: {  	s0 =	simm.s32 @!p0 $0xC  }
0x103: {  	_ =	swait.ge @!p0 [sflag:s0], s1  }
0x104: {  	s1 =	ssub.s32 @!p0 $0x0, s1;
	[sflag:s0] =	ssyncset.done @!p0 $0x0  }
0x105: {  	[sflag:s0] =	ssyncadd.s32 @!p0 s1  }
0x106: {  	[bflag:$0x3] =	sbarrier.arrive $0xFFFF  }
0x107: {  	_ =	shalt  }

</sc_bundles>
